<compile_context>
chip_gen: v7x
topology: tpu7x:2x2x1
jax: 0.10.2.dev20260603
libtpu: 0.0.44.dev20260713+nightly
codegen_flags: <defaults>
</compile_context>

<pallas_src>
import functools

import jax
import jax.numpy as jnp
from jax import lax
from jax.experimental import pallas as pl
from jax.experimental.pallas import tpu as pltpu
from jax.experimental.pallas import tpu_sc as plsc

_LANES = 16


@functools.cache
def _make_kernel(B, L, D, V):
    info = plsc.get_sparse_core_info()
    NC, NS = info.num_cores, info.num_subcores
    NW = NC * NS
    BW = B // NW
    NB = 8
    AHEAD = 6
    NT = 4
    n_outer = L // NB
    G = BW // _LANES
    assert L % NB == 0 and BW % _LANES == 0 and D == 2 * _LANES

    mesh = plsc.VectorSubcoreMesh(core_axis_name="c", subcore_axis_name="s")

    @functools.partial(
        pl.kernel,
        mesh=mesh,
        out_type=jax.ShapeDtypeStruct((L * D, B), jnp.float32),
        compiler_params=pltpu.CompilerParams(
            use_tc_tiling_on_sc=False, needs_layout_passes=False
        ),
        scratch_types=[
            pltpu.VMEM((L, BW), jnp.int32),
            pltpu.VMEM((NB, BW, D), jnp.float32),
            pltpu.VMEM((NT, D, BW + 1), jnp.float32),
            pltpu.VMEM((L, D), jnp.float32),
            [pltpu.SemaphoreType.DMA] * NB,
            [pltpu.SemaphoreType.DMA] * NT,
        ],
    )
    def k(xt_hbm, emb_hbm, pos_hbm, out_hbm, idx_v, rows, trans, pos_v,
          sems_g, sems_o):
        wid = lax.axis_index("s") * NC + lax.axis_index("c")
        col0 = wid * BW
        pltpu.sync_copy(pos_hbm, pos_v)
        pltpu.sync_copy(xt_hbm.at[:, pl.ds(col0, BW)], idx_v)

        def fire_gather(l, b):
            pltpu.async_copy(emb_hbm.at[idx_v.at[l]], rows.at[b], sems_g[b])

        def wait_gather(b):
            pltpu.make_async_copy(
                emb_hbm.at[idx_v.at[0]], rows.at[b], sems_g[b]
            ).wait()

        def drain_out(t):
            pltpu.make_async_copy(
                trans.at[t, pl.ds(0, D), pl.ds(0, BW)],
                out_hbm.at[pl.ds(0, D), pl.ds(col0, BW)],
                sems_o[t],
            ).wait()

        for l0 in range(AHEAD):
            fire_gather(l0, l0)

        dlo = lax.iota(jnp.int32, _LANES)
        dhi = dlo + _LANES

        def outer_body(p, carry):
            for u in range(NB):
                l = NB * p + u
                bg = (u + AHEAD) % NB
                if u < NB - AHEAD:
                    fire_gather(l + AHEAD, bg)
                else:
                    pl.when(p <= n_outer - 2)(
                        lambda l=l, bg=bg: fire_gather(l + AHEAD, bg)
                    )
                t = u % NT
                if u < NT:
                    pl.when(p >= 1)(lambda t=t: drain_out(t))
                else:
                    drain_out(t)
                wait_gather(u)
                p0 = pos_v[l, pl.ds(0, _LANES)]
                p1 = pos_v[l, pl.ds(_LANES, _LANES)]

                @plsc.parallel_loop(0, BW, unroll=4)
                def tr_body(b, _u=u, _t=t):
                    bvec = jnp.full((_LANES,), b, jnp.int32)
                    v0 = rows[_u, b, pl.ds(0, _LANES)] + p0
                    v1 = rows[_u, b, pl.ds(_LANES, _LANES)] + p1
                    plsc.store_scatter(trans.at[_t], [dlo, bvec], v0)
                    plsc.store_scatter(trans.at[_t], [dhi, bvec], v1)
                pltpu.async_copy(
                    trans.at[t, pl.ds(0, D), pl.ds(0, BW)],
                    out_hbm.at[pl.ds(l * D, D), pl.ds(col0, BW)],
                    sems_o[t],
                )
            return carry

        lax.fori_loop(0, n_outer, outer_body, 0)
        for t in range(NT):
            drain_out(t)

    return k


def kernel(x, embeddings, position_encodings):
    B, L = x.shape
    V, D = embeddings.shape
    k = _make_kernel(B, L, D, V)
    out = k(x.T, embeddings, position_encodings)
    return out.reshape(L, D, B).transpose(2, 0, 1)

# --- scband reference (transcript-rebuilt; emitter-appended) ---
"""Pipeline reference for scband-relative-logit-positional-encoding-21577915695768 (READ-ONLY COPY).

The authoritative reference and input builder live on the scoring server;
editing this copy changes nothing except your own understanding.
"""

import jax, jax.numpy as jnp
import numpy as np

D_MODEL = 32
NUM_EMBEDDINGS = 1000000
SEQ_LENGTH = 200
BATCH = 4096


def setup_inputs(seed: int = 0) -> dict:
    key = jax.random.key(seed)
    k1, k2, k3 = jax.random.split(key, 3)
    std = 1.0 / np.sqrt(D_MODEL)
    embeddings = jax.random.uniform(k1, (NUM_EMBEDDINGS, D_MODEL), minval=-std, maxval=std, dtype=jnp.float32)
    position_encodings = jax.random.uniform(k2, (SEQ_LENGTH, D_MODEL), minval=-std, maxval=std, dtype=jnp.float32)
    x = jax.random.randint(k3, (BATCH, SEQ_LENGTH), 0, NUM_EMBEDDINGS, dtype=jnp.int32)
    return {"x": x, "embeddings": embeddings, "position_encodings": position_encodings}


def reference(x, embeddings, position_encodings):
    # token embedding gather: [B, L, d]
    tok = jnp.take(embeddings, x, axis=0)
    # positional encoding gather over arange(L): [L, d], broadcast over batch
    pos = jnp.take(position_encodings, jnp.arange(x.shape[1]), axis=0)
    return tok + pos[None, :, :]

if __name__ == "__main__":
    import jax
    _d = setup_inputs()
    print(jax.jit(kernel)(*tuple(_d.values())))

</pallas_src>

<mosaic_0001>
#map = affine_map<(d0, d1) -> (0, 0)>
module attributes {stable_mosaic.version = 14 : i64} {
  func.func @k(%arg0: i32, %arg1: i32, %arg2: memref<200x4096xi32, #tpu.memory_space<hbm>>, %arg3: memref<1000000x32xf32, #tpu.memory_space<hbm>>, %arg4: memref<200x32xf32, #tpu.memory_space<hbm>>, %arg5: memref<6400x4096xf32, #tpu.memory_space<hbm>>, %arg6: memref<200x128xi32, #tpu.memory_space<vmem>>, %arg7: memref<8x128x32xf32, #tpu.memory_space<vmem>>, %arg8: memref<4x32x129xf32, #tpu.memory_space<vmem>>, %arg9: memref<200x32xf32, #tpu.memory_space<vmem>>, %arg10: memref<!tpu.dma_semaphore, #tpu.memory_space<semaphore_mem>>, %arg11: memref<!tpu.dma_semaphore, #tpu.memory_space<semaphore_mem>>, %arg12: memref<!tpu.dma_semaphore, #tpu.memory_space<semaphore_mem>>, %arg13: memref<!tpu.dma_semaphore, #tpu.memory_space<semaphore_mem>>, %arg14: memref<!tpu.dma_semaphore, #tpu.memory_space<semaphore_mem>>, %arg15: memref<!tpu.dma_semaphore, #tpu.memory_space<semaphore_mem>>, %arg16: memref<!tpu.dma_semaphore, #tpu.memory_space<semaphore_mem>>, %arg17: memref<!tpu.dma_semaphore, #tpu.memory_space<semaphore_mem>>, %arg18: memref<!tpu.dma_semaphore, #tpu.memory_space<semaphore_mem>>, %arg19: memref<!tpu.dma_semaphore, #tpu.memory_space<semaphore_mem>>, %arg20: memref<!tpu.dma_semaphore, #tpu.memory_space<semaphore_mem>>, %arg21: memref<!tpu.dma_semaphore, #tpu.memory_space<semaphore_mem>>) attributes {dimension_semantics = [#tpu.dimension_semantics<core_parallel>, #tpu.dimension_semantics<subcore_parallel>], iteration_bounds = array<i64: 2, 16>, scalar_prefetch = 0 : i64, scratch_operands = 16 : i64, tpu.core_type = #tpu.core_type<sc_vector_subcore>, window_params = [{transform_indices = #map}, {transform_indices = #map}, {transform_indices = #map}, {transform_indices = #map}]} {
    %mul3A = arith.constant 2 : i32
    %mul3A_0 = arith.muli %arg1, %mul3A : i32
    %add3A = arith.addi %mul3A_0, %arg0 : i32
    %mul3A_1 = arith.constant 128 : i32
    %mul3A_2 = arith.muli %add3A, %mul3A_1 : i32
    "tpu.region"() ({
      %run_scoped3A = tpu.sem_alloc : memref<!tpu.dma_semaphore, #tpu.memory_space<semaphore_mem>>
      tpu.enqueue_dma source(%arg4 : memref<200x32xf32, #tpu.memory_space<hbm>>) target(%arg9 : memref<200x32xf32, #tpu.memory_space<vmem>>) target_semaphore(%run_scoped3A : memref<!tpu.dma_semaphore, #tpu.memory_space<semaphore_mem>>)
      tpu.wait_dma2 semaphore(%run_scoped3A : memref<!tpu.dma_semaphore, #tpu.memory_space<semaphore_mem>>) src(%arg4 : memref<200x32xf32, #tpu.memory_space<hbm>>) dst(%arg9 : memref<200x32xf32, #tpu.memory_space<vmem>>)
      tpu.yield
    }) : () -> ()
    "tpu.region"() ({
      %run_scoped3A = tpu.sem_alloc : memref<!tpu.dma_semaphore, #tpu.memory_space<semaphore_mem>>
      %dma_start3A_133 = arith.constant 0 : i32
      %dma_start3A_134 = tpu.memref_slice %arg2[%dma_start3A_133, %mul3A_2] : memref<200x4096xi32, #tpu.memory_space<hbm>> -> memref<200x128xi32, #tpu.memory_space<hbm>>
      %dma_start3A_135 = arith.constant 0 : i32
      %dma_start3A_136 = tpu.memref_slice %arg2[%dma_start3A_135, %mul3A_2] : memref<200x4096xi32, #tpu.memory_space<hbm>> -> memref<200x128xi32, #tpu.memory_space<hbm>>
      tpu.enqueue_dma source(%dma_start3A_136 : memref<200x128xi32, #tpu.memory_space<hbm>>) target(%arg6 : memref<200x128xi32, #tpu.memory_space<vmem>>) target_semaphore(%run_scoped3A : memref<!tpu.dma_semaphore, #tpu.memory_space<semaphore_mem>>)
      %dma_wait3A_137 = arith.constant 0 : i32
      %dma_wait3A_138 = tpu.memref_slice %arg2[%dma_wait3A_137, %mul3A_2] : memref<200x4096xi32, #tpu.memory_space<hbm>> -> memref<200x128xi32, #tpu.memory_space<hbm>>
      %dma_wait3A_139 = arith.constant 0 : i32
      %dma_wait3A_140 = tpu.memref_slice %arg2[%dma_wait3A_139, %mul3A_2] : memref<200x4096xi32, #tpu.memory_space<hbm>> -> memref<200x128xi32, #tpu.memory_space<hbm>>
      tpu.wait_dma2 semaphore(%run_scoped3A : memref<!tpu.dma_semaphore, #tpu.memory_space<semaphore_mem>>) src(%dma_wait3A_140 : memref<200x128xi32, #tpu.memory_space<hbm>>) dst(%arg6 : memref<200x128xi32, #tpu.memory_space<vmem>>)
      tpu.yield
    }) : () -> ()
    %dma_start3A = arith.constant 0 : i32
    %dma_start3A_3 = arith.constant 0 : i32
    %dma_start3A_4 = arith.constant 0 : i32
    %dma_start3A_5 = arith.constant 0 : i32
    %dma_start3A_6 = tpu.memref_slice %arg7[%dma_start3A_3, %dma_start3A_4, %dma_start3A_5] : memref<8x128x32xf32, #tpu.memory_space<vmem>> -> memref<1x128x32xf32, #tpu.memory_space<vmem>>
    %dma_start3A_7 = tpu.memref_squeeze %dma_start3A_6 : memref<1x128x32xf32, #tpu.memory_space<vmem>> -> memref<128x32xf32, #tpu.memory_space<vmem>>
    %dma_start3A_8 = arith.constant 0 : i32
    %dma_start3A_9 = tpu.memref_slice %arg6[%dma_start3A, %dma_start3A_8] : memref<200x128xi32, #tpu.memory_space<vmem>> -> memref<1x128xi32, #tpu.memory_space<vmem>>
    %dma_start3A_10 = tpu.memref_squeeze %dma_start3A_9 : memref<1x128xi32, #tpu.memory_space<vmem>> -> memref<128xi32, #tpu.memory_space<vmem>>
    %dma_start3A_11 = arith.constant 0 : i32
    %dma_start3A_12 = arith.constant 0 : i32
    %dma_start3A_13 = tpu.memref_slice %arg3[%dma_start3A_11, %dma_start3A_12] : memref<1000000x32xf32, #tpu.memory_space<hbm>> -> memref<1000000x32xf32, #tpu.memory_space<hbm>>
    tpu.enqueue_indirect_dma source(%dma_start3A_13 : memref<1000000x32xf32, #tpu.memory_space<hbm>>) target(%dma_start3A_7 : memref<128x32xf32, #tpu.memory_space<vmem>>) offsets(%dma_start3A_10 : memref<128xi32, #tpu.memory_space<vmem>>) semaphore(%arg10 : memref<!tpu.dma_semaphore, #tpu.memory_space<semaphore_mem>>)
    %dma_start3A_14 = arith.constant 1 : i32
    %dma_start3A_15 = arith.constant 1 : i32
    %dma_start3A_16 = arith.constant 0 : i32
    %dma_start3A_17 = arith.constant 0 : i32
    %dma_start3A_18 = tpu.memref_slice %arg7[%dma_start3A_15, %dma_start3A_16, %dma_start3A_17] : memref<8x128x32xf32, #tpu.memory_space<vmem>> -> memref<1x128x32xf32, #tpu.memory_space<vmem>>
    %dma_start3A_19 = tpu.memref_squeeze %dma_start3A_18 : memref<1x128x32xf32, #tpu.memory_space<vmem>> -> memref<128x32xf32, #tpu.memory_space<vmem>>
    %dma_start3A_20 = arith.constant 0 : i32
    %dma_start3A_21 = tpu.memref_slice %arg6[%dma_start3A_14, %dma_start3A_20] : memref<200x128xi32, #tpu.memory_space<vmem>> -> memref<1x128xi32, #tpu.memory_space<vmem>>
    %dma_start3A_22 = tpu.memref_squeeze %dma_start3A_21 : memref<1x128xi32, #tpu.memory_space<vmem>> -> memref<128xi32, #tpu.memory_space<vmem>>
    %dma_start3A_23 = arith.constant 0 : i32
    %dma_start3A_24 = arith.constant 0 : i32
    %dma_start3A_25 = tpu.memref_slice %arg3[%dma_start3A_23, %dma_start3A_24] : memref<1000000x32xf32, #tpu.memory_space<hbm>> -> memref<1000000x32xf32, #tpu.memory_space<hbm>>
    tpu.enqueue_indirect_dma source(%dma_start3A_25 : memref<1000000x32xf32, #tpu.memory_space<hbm>>) target(%dma_start3A_19 : memref<128x32xf32, #tpu.memory_space<vmem>>) offsets(%dma_start3A_22 : memref<128xi32, #tpu.memory_space<vmem>>) semaphore(%arg11 : memref<!tpu.dma_semaphore, #tpu.memory_space<semaphore_mem>>)
    %dma_start3A_26 = arith.constant 2 : i32
    %dma_start3A_27 = arith.constant 2 : i32
    %dma_start3A_28 = arith.constant 0 : i32
    %dma_start3A_29 = arith.constant 0 : i32
    %dma_start3A_30 = tpu.memref_slice %arg7[%dma_start3A_27, %dma_start3A_28, %dma_start3A_29] : memref<8x128x32xf32, #tpu.memory_space<vmem>> -> memref<1x128x32xf32, #tpu.memory_space<vmem>>
    %dma_start3A_31 = tpu.memref_squeeze %dma_start3A_30 : memref<1x128x32xf32, #tpu.memory_space<vmem>> -> memref<128x32xf32, #tpu.memory_space<vmem>>
    %dma_start3A_32 = arith.constant 0 : i32
    %dma_start3A_33 = tpu.memref_slice %arg6[%dma_start3A_26, %dma_start3A_32] : memref<200x128xi32, #tpu.memory_space<vmem>> -> memref<1x128xi32, #tpu.memory_space<vmem>>
    %dma_start3A_34 = tpu.memref_squeeze %dma_start3A_33 : memref<1x128xi32, #tpu.memory_space<vmem>> -> memref<128xi32, #tpu.memory_space<vmem>>
    %dma_start3A_35 = arith.constant 0 : i32
    %dma_start3A_36 = arith.constant 0 : i32
    %dma_start3A_37 = tpu.memref_slice %arg3[%dma_start3A_35, %dma_start3A_36] : memref<1000000x32xf32, #tpu.memory_space<hbm>> -> memref<1000000x32xf32, #tpu.memory_space<hbm>>
    tpu.enqueue_indirect_dma source(%dma_start3A_37 : memref<1000000x32xf32, #tpu.memory_space<hbm>>) target(%dma_start3A_31 : memref<128x32xf32, #tpu.memory_space<vmem>>) offsets(%dma_start3A_34 : memref<128xi32, #tpu.memory_space<vmem>>) semaphore(%arg12 : memref<!tpu.dma_semaphore, #tpu.memory_space<semaphore_mem>>)
    %dma_start3A_38 = arith.constant 3 : i32
    %dma_start3A_39 = arith.constant 3 : i32
    %dma_start3A_40 = arith.constant 0 : i32
    %dma_start3A_41 = arith.constant 0 : i32
    %dma_start3A_42 = tpu.memref_slice %arg7[%dma_start3A_39, %dma_start3A_40, %dma_start3A_41] : memref<8x128x32xf32, #tpu.memory_space<vmem>> -> memref<1x128x32xf32, #tpu.memory_space<vmem>>
    %dma_start3A_43 = tpu.memref_squeeze %dma_start3A_42 : memref<1x128x32xf32, #tpu.memory_space<vmem>> -> memref<128x32xf32, #tpu.memory_space<vmem>>
    %dma_start3A_44 = arith.constant 0 : i32
    %dma_start3A_45 = tpu.memref_slice %arg6[%dma_start3A_38, %dma_start3A_44] : memref<200x128xi32, #tpu.memory_space<vmem>> -> memref<1x128xi32, #tpu.memory_space<vmem>>
    %dma_start3A_46 = tpu.memref_squeeze %dma_start3A_45 : memref<1x128xi32, #tpu.memory_space<vmem>> -> memref<128xi32, #tpu.memory_space<vmem>>
    %dma_start3A_47 = arith.constant 0 : i32
    %dma_start3A_48 = arith.constant 0 : i32
    %dma_start3A_49 = tpu.memref_slice %arg3[%dma_start3A_47, %dma_start3A_48] : memref<1000000x32xf32, #tpu.memory_space<hbm>> -> memref<1000000x32xf32, #tpu.memory_space<hbm>>
    tpu.enqueue_indirect_dma source(%dma_start3A_49 : memref<1000000x32xf32, #tpu.memory_space<hbm>>) target(%dma_start3A_43 : memref<128x32xf32, #tpu.memory_space<vmem>>) offsets(%dma_start3A_46 : memref<128xi32, #tpu.memory_space<vmem>>) semaphore(%arg13 : memref<!tpu.dma_semaphore, #tpu.memory_space<semaphore_mem>>)
    %dma_start3A_50 = arith.constant 4 : i32
    %dma_start3A_51 = arith.constant 4 : i32
    %dma_start3A_52 = arith.constant 0 : i32
    %dma_start3A_53 = arith.constant 0 : i32
    %dma_start3A_54 = tpu.memref_slice %arg7[%dma_start3A_51, %dma_start3A_52, %dma_start3A_53] : memref<8x128x32xf32, #tpu.memory_space<vmem>> -> memref<1x128x32xf32, #tpu.memory_space<vmem>>
    %dma_start3A_55 = tpu.memref_squeeze %dma_start3A_54 : memref<1x128x32xf32, #tpu.memory_space<vmem>> -> memref<128x32xf32, #tpu.memory_space<vmem>>
    %dma_start3A_56 = arith.constant 0 : i32
    %dma_start3A_57 = tpu.memref_slice %arg6[%dma_start3A_50, %dma_start3A_56] : memref<200x128xi32, #tpu.memory_space<vmem>> -> memref<1x128xi32, #tpu.memory_space<vmem>>
    %dma_start3A_58 = tpu.memref_squeeze %dma_start3A_57 : memref<1x128xi32, #tpu.memory_space<vmem>> -> memref<128xi32, #tpu.memory_space<vmem>>
    %dma_start3A_59 = arith.constant 0 : i32
    %dma_start3A_60 = arith.constant 0 : i32
    %dma_start3A_61 = tpu.memref_slice %arg3[%dma_start3A_59, %dma_start3A_60] : memref<1000000x32xf32, #tpu.memory_space<hbm>> -> memref<1000000x32xf32, #tpu.memory_space<hbm>>
    tpu.enqueue_indirect_dma source(%dma_start3A_61 : memref<1000000x32xf32, #tpu.memory_space<hbm>>) target(%dma_start3A_55 : memref<128x32xf32, #tpu.memory_space<vmem>>) offsets(%dma_start3A_58 : memref<128xi32, #tpu.memory_space<vmem>>) semaphore(%arg14 : memref<!tpu.dma_semaphore, #tpu.memory_space<semaphore_mem>>)
    %dma_start3A_62 = arith.constant 5 : i32
    %dma_start3A_63 = arith.constant 5 : i32
    %dma_start3A_64 = arith.constant 0 : i32
    %dma_start3A_65 = arith.constant 0 : i32
    %dma_start3A_66 = tpu.memref_slice %arg7[%dma_start3A_63, %dma_start3A_64, %dma_start3A_65] : memref<8x128x32xf32, #tpu.memory_space<vmem>> -> memref<1x128x32xf32, #tpu.memory_space<vmem>>
    %dma_start3A_67 = tpu.memref_squeeze %dma_start3A_66 : memref<1x128x32xf32, #tpu.memory_space<vmem>> -> memref<128x32xf32, #tpu.memory_space<vmem>>
    %dma_start3A_68 = arith.constant 0 : i32
    %dma_start3A_69 = tpu.memref_slice %arg6[%dma_start3A_62, %dma_start3A_68] : memref<200x128xi32, #tpu.memory_space<vmem>> -> memref<1x128xi32, #tpu.memory_space<vmem>>
    %dma_start3A_70 = tpu.memref_squeeze %dma_start3A_69 : memref<1x128xi32, #tpu.memory_space<vmem>> -> memref<128xi32, #tpu.memory_space<vmem>>
    %dma_start3A_71 = arith.constant 0 : i32
    %dma_start3A_72 = arith.constant 0 : i32
    %dma_start3A_73 = tpu.memref_slice %arg3[%dma_start3A_71, %dma_start3A_72] : memref<1000000x32xf32, #tpu.memory_space<hbm>> -> memref<1000000x32xf32, #tpu.memory_space<hbm>>
    tpu.enqueue_indirect_dma source(%dma_start3A_73 : memref<1000000x32xf32, #tpu.memory_space<hbm>>) target(%dma_start3A_67 : memref<128x32xf32, #tpu.memory_space<vmem>>) offsets(%dma_start3A_70 : memref<128xi32, #tpu.memory_space<vmem>>) semaphore(%arg15 : memref<!tpu.dma_semaphore, #tpu.memory_space<semaphore_mem>>)
    %iota3A = tpu.iota {dimensions = array<i32: 0>} : vector<16xi32>
    %add3A_74 = arith.constant 16 : i32
    %add3A_75 = vector.broadcast %add3A_74 : i32 to vector<16xi32>
    %add3A_76 = arith.addi %iota3A, %add3A_75 : vector<16xi32>
    %scan3A = arith.constant 0 : i32
    %scan3A_77 = arith.constant 0 : i32
    %scan3A_78 = arith.constant 25 : i32
    %scan3A_79 = arith.addi %scan3A_77, %scan3A_78 : i32
    %scan3A_80 = arith.constant 1 : i32
    scf.for %scan3A_133 = %scan3A_77 to %scan3A_79 step %scan3A_80  : i32 {
      %mul3A_134 = arith.constant 8 : i32
      %mul3A_135 = arith.muli %mul3A_134, %scan3A_133 : i32
      %add3A_136 = arith.constant 0 : i32
      %add3A_137 = arith.addi %mul3A_135, %add3A_136 : i32
      %add3A_138 = arith.constant 6 : i32
      %add3A_139 = arith.addi %add3A_137, %add3A_138 : i32
      %dma_start3A_140 = arith.constant 6 : i32
      %dma_start3A_141 = arith.constant 0 : i32
      %dma_start3A_142 = arith.constant 0 : i32
      %dma_start3A_143 = tpu.memref_slice %arg7[%dma_start3A_140, %dma_start3A_141, %dma_start3A_142] : memref<8x128x32xf32, #tpu.memory_space<vmem>> -> memref<1x128x32xf32, #tpu.memory_space<vmem>>
      %dma_start3A_144 = tpu.memref_squeeze %dma_start3A_143 : memref<1x128x32xf32, #tpu.memory_space<vmem>> -> memref<128x32xf32, #tpu.memory_space<vmem>>
      %dma_start3A_145 = arith.constant 0 : i32
      %dma_start3A_146 = tpu.memref_slice %arg6[%add3A_139, %dma_start3A_145] : memref<200x128xi32, #tpu.memory_space<vmem>> -> memref<1x128xi32, #tpu.memory_space<vmem>>
      %dma_start3A_147 = tpu.memref_squeeze %dma_start3A_146 : memref<1x128xi32, #tpu.memory_space<vmem>> -> memref<128xi32, #tpu.memory_space<vmem>>
      %dma_start3A_148 = arith.constant 0 : i32
      %dma_start3A_149 = arith.constant 0 : i32
      %dma_start3A_150 = tpu.memref_slice %arg3[%dma_start3A_148, %dma_start3A_149] : memref<1000000x32xf32, #tpu.memory_space<hbm>> -> memref<1000000x32xf32, #tpu.memory_space<hbm>>
      tpu.enqueue_indirect_dma source(%dma_start3A_150 : memref<1000000x32xf32, #tpu.memory_space<hbm>>) target(%dma_start3A_144 : memref<128x32xf32, #tpu.memory_space<vmem>>) offsets(%dma_start3A_147 : memref<128xi32, #tpu.memory_space<vmem>>) semaphore(%arg16 : memref<!tpu.dma_semaphore, #tpu.memory_space<semaphore_mem>>)
      %ge3A = arith.constant 1 : i32
      %ge3A_151 = arith.cmpi sge, %scan3A_133, %ge3A : i32
      %convert_element_type3A = arith.extui %ge3A_151 : i1 to i32
      %cond3A = arith.constant 0 : i32
      %cond3A_152 = arith.cmpi ne, %convert_element_type3A, %cond3A : i32
      scf.if %cond3A_152 {
        %dma_wait3A_560 = arith.constant 0 : i32
        %dma_wait3A_561 = arith.constant 0 : i32
        %dma_wait3A_562 = arith.constant 0 : i32
        %dma_wait3A_563 = tpu.memref_slice %arg8[%dma_wait3A_560, %dma_wait3A_561, %dma_wait3A_562] : memref<4x32x129xf32, #tpu.memory_space<vmem>> -> memref<1x32x128xf32, #tpu.memory_space<vmem>>
        %dma_wait3A_564 = tpu.memref_squeeze %dma_wait3A_563 : memref<1x32x128xf32, #tpu.memory_space<vmem>> -> memref<32x128xf32, #tpu.memory_space<vmem>>
        %dma_wait3A_565 = arith.constant 0 : i32
        %dma_wait3A_566 = tpu.memref_slice %arg5[%dma_wait3A_565, %mul3A_2] : memref<6400x4096xf32, #tpu.memory_space<hbm>> -> memref<32x128xf32, #tpu.memory_space<hbm>>
        %dma_wait3A_567 = arith.constant 0 : i32
        %dma_wait3A_568 = tpu.memref_slice %arg5[%dma_wait3A_567, %mul3A_2] : memref<6400x4096xf32, #tpu.memory_space<hbm>> -> memref<32x128xf32, #tpu.memory_space<hbm>>
        %dma_wait3A_569 = arith.constant 0 : i32
        %dma_wait3A_570 = arith.constant 0 : i32
        %dma_wait3A_571 = tpu.memref_slice %arg8[%dma_wait3A_560, %dma_wait3A_569, %dma_wait3A_570] : memref<4x32x129xf32, #tpu.memory_space<vmem>> -> memref<1x32x128xf32, #tpu.memory_space<vmem>>
        %dma_wait3A_572 = tpu.memref_squeeze %dma_wait3A_571 : memref<1x32x128xf32, #tpu.memory_space<vmem>> -> memref<32x128xf32, #tpu.memory_space<vmem>>
        tpu.wait_dma2 semaphore(%arg18 : memref<!tpu.dma_semaphore, #tpu.memory_space<semaphore_mem>>) src(%dma_wait3A_572 : memref<32x128xf32, #tpu.memory_space<vmem>>) dst(%dma_wait3A_568 : memref<32x128xf32, #tpu.memory_space<hbm>>)
      } else {
      }
      %dma_wait3A_153 = arith.constant 0 : i32
      %dma_wait3A_154 = arith.constant 0 : i32
      %dma_wait3A_155 = arith.constant 0 : i32
      %dma_wait3A_156 = arith.constant 0 : i32
      %dma_wait3A_157 = tpu.memref_slice %arg7[%dma_wait3A_154, %dma_wait3A_155, %dma_wait3A_156] : memref<8x128x32xf32, #tpu.memory_space<vmem>> -> memref<1x128x32xf32, #tpu.memory_space<vmem>>
      %dma_wait3A_158 = tpu.memref_squeeze %dma_wait3A_157 : memref<1x128x32xf32, #tpu.memory_space<vmem>> -> memref<128x32xf32, #tpu.memory_space<vmem>>
      %dma_wait3A_159 = arith.constant 0 : i32
      %dma_wait3A_160 = tpu.memref_slice %arg6[%dma_wait3A_153, %dma_wait3A_159] : memref<200x128xi32, #tpu.memory_space<vmem>> -> memref<1x128xi32, #tpu.memory_space<vmem>>
      %dma_wait3A_161 = tpu.memref_squeeze %dma_wait3A_160 : memref<1x128xi32, #tpu.memory_space<vmem>> -> memref<128xi32, #tpu.memory_space<vmem>>
      %dma_wait3A_162 = arith.constant 0 : i32
      %dma_wait3A_163 = arith.constant 0 : i32
      %dma_wait3A_164 = tpu.memref_slice %arg3[%dma_wait3A_162, %dma_wait3A_163] : memref<1000000x32xf32, #tpu.memory_space<hbm>> -> memref<1000000x32xf32, #tpu.memory_space<hbm>>
      tpu.wait_indirect_dma semaphore(%arg10 : memref<!tpu.dma_semaphore, #tpu.memory_space<semaphore_mem>>) src(%dma_wait3A_164 : memref<1000000x32xf32, #tpu.memory_space<hbm>>) dst(%dma_wait3A_158 : memref<128x32xf32, #tpu.memory_space<vmem>>)
      %get3A = arith.index_cast %add3A_137 : i32 to index
      %get3A_165 = arith.constant 0 : index
      %get3A_166 = tpu.vector_load %arg9[%get3A, %get3A_165] {strides = array<i32>} : memref<200x32xf32, #tpu.memory_space<vmem>>, vector<16xf32>,
      %get3A_167 = arith.index_cast %add3A_137 : i32 to index
      %get3A_168 = arith.constant 16 : index
      %get3A_169 = tpu.vector_load %arg9[%get3A_167, %get3A_168] {strides = array<i32>} : memref<200x32xf32, #tpu.memory_space<vmem>>, vector<16xf32>,
      %parallel_loop3A = arith.constant 0 : i32
      %parallel_loop3A_170 = arith.constant 128 : i32
      %parallel_loop3A_171 = arith.constant 1 : i32
      scf.for %parallel_loop3A_560 = %parallel_loop3A to %parallel_loop3A_170 step %parallel_loop3A_171  : i32 {
        %parallel_loop3A_561 = vector.broadcast %parallel_loop3A_560 : i32 to vector<16xi32>
        %parallel_loop3A_562 = arith.constant 0 : i32
        %parallel_loop3A_563 = arith.index_cast %parallel_loop3A_562 : i32 to index
        %parallel_loop3A_564 = arith.index_cast %parallel_loop3A_560 : i32 to index
        %parallel_loop3A_565 = arith.constant 0 : index
        %parallel_loop3A_566 = tpu.vector_load %arg7[%parallel_loop3A_563, %parallel_loop3A_564, %parallel_loop3A_565] {strides = array<i32>} : memref<8x128x32xf32, #tpu.memory_space<vmem>>, vector<16xf32>,
        %parallel_loop3A_567 = arith.addf %parallel_loop3A_566, %get3A_166 : vector<16xf32>
        %parallel_loop3A_568 = arith.constant 0 : i32
        %parallel_loop3A_569 = arith.index_cast %parallel_loop3A_568 : i32 to index
        %parallel_loop3A_570 = arith.index_cast %parallel_loop3A_560 : i32 to index
        %parallel_loop3A_571 = arith.constant 16 : index
        %parallel_loop3A_572 = tpu.vector_load %arg7[%parallel_loop3A_569, %parallel_loop3A_570, %parallel_loop3A_571] {strides = array<i32>} : memref<8x128x32xf32, #tpu.memory_space<vmem>>, vector<16xf32>,
        %parallel_loop3A_573 = arith.addf %parallel_loop3A_572, %get3A_169 : vector<16xf32>
        %parallel_loop3A_574 = arith.constant 0 : i32
        %parallel_loop3A_575 = arith.constant 0 : i32
        %parallel_loop3A_576 = arith.constant 0 : i32
        %parallel_loop3A_577 = tpu.memref_slice %arg8[%parallel_loop3A_574, %parallel_loop3A_575, %parallel_loop3A_576] : memref<4x32x129xf32, #tpu.memory_space<vmem>> -> memref<1x32x129xf32, #tpu.memory_space<vmem>>
        %parallel_loop3A_578 = tpu.memref_squeeze %parallel_loop3A_577 : memref<1x32x129xf32, #tpu.memory_space<vmem>> -> memref<32x129xf32, #tpu.memory_space<vmem>>
        tpu.vector_store_idx %parallel_loop3A_578[%iota3A, %parallel_loop3A_561], %parallel_loop3A_567 : memref<32x129xf32, #tpu.memory_space<vmem>>[vector<16xi32>, vector<16xi32>], vector<16xf32>,
        %parallel_loop3A_579 = arith.constant 0 : i32
        %parallel_loop3A_580 = arith.constant 0 : i32
        %parallel_loop3A_581 = arith.constant 0 : i32
        %parallel_loop3A_582 = tpu.memref_slice %arg8[%parallel_loop3A_579, %parallel_loop3A_580, %parallel_loop3A_581] : memref<4x32x129xf32, #tpu.memory_space<vmem>> -> memref<1x32x129xf32, #tpu.memory_space<vmem>>
        %parallel_loop3A_583 = tpu.memref_squeeze %parallel_loop3A_582 : memref<1x32x129xf32, #tpu.memory_space<vmem>> -> memref<32x129xf32, #tpu.memory_space<vmem>>
        tpu.vector_store_idx %parallel_loop3A_583[%add3A_76, %parallel_loop3A_561], %parallel_loop3A_573 : memref<32x129xf32, #tpu.memory_space<vmem>>[vector<16xi32>, vector<16xi32>], vector<16xf32>,
      } {sc.loop_unroll_factor = 4 : i64, sc.parallel_access}
      %mul3A_172 = arith.constant 32 : i32
      %mul3A_173 = arith.muli %add3A_137, %mul3A_172 : i32
      %dma_start3A_174 = arith.constant 0 : i32
      %dma_start3A_175 = arith.constant 0 : i32
      %dma_start3A_176 = arith.constant 0 : i32
      %dma_start3A_177 = tpu.memref_slice %arg8[%dma_start3A_174, %dma_start3A_175, %dma_start3A_176] : memref<4x32x129xf32, #tpu.memory_space<vmem>> -> memref<1x32x128xf32, #tpu.memory_space<vmem>>
      %dma_start3A_178 = tpu.memref_squeeze %dma_start3A_177 : memref<1x32x128xf32, #tpu.memory_space<vmem>> -> memref<32x128xf32, #tpu.memory_space<vmem>>
      %dma_start3A_179 = tpu.memref_slice %arg5[%mul3A_173, %mul3A_2] : memref<6400x4096xf32, #tpu.memory_space<hbm>> -> memref<32x128xf32, #tpu.memory_space<hbm>>
      %dma_start3A_180 = tpu.memref_slice %arg5[%mul3A_173, %mul3A_2] : memref<6400x4096xf32, #tpu.memory_space<hbm>> -> memref<32x128xf32, #tpu.memory_space<hbm>>
      %dma_start3A_181 = arith.constant 0 : i32
      %dma_start3A_182 = arith.constant 0 : i32
      %dma_start3A_183 = tpu.memref_slice %arg8[%dma_start3A_174, %dma_start3A_181, %dma_start3A_182] : memref<4x32x129xf32, #tpu.memory_space<vmem>> -> memref<1x32x128xf32, #tpu.memory_space<vmem>>
      %dma_start3A_184 = tpu.memref_squeeze %dma_start3A_183 : memref<1x32x128xf32, #tpu.memory_space<vmem>> -> memref<32x128xf32, #tpu.memory_space<vmem>>
      tpu.enqueue_dma source(%dma_start3A_184 : memref<32x128xf32, #tpu.memory_space<vmem>>) target(%dma_start3A_180 : memref<32x128xf32, #tpu.memory_space<hbm>>) target_semaphore(%arg18 : memref<!tpu.dma_semaphore, #tpu.memory_space<semaphore_mem>>)
      %mul3A_185 = arith.constant 8 : i32
      %mul3A_186 = arith.muli %mul3A_185, %scan3A_133 : i32
      %add3A_187 = arith.constant 1 : i32
      %add3A_188 = arith.addi %mul3A_186, %add3A_187 : i32
      %add3A_189 = arith.constant 6 : i32
      %add3A_190 = arith.addi %add3A_188, %add3A_189 : i32
      %dma_start3A_191 = arith.constant 7 : i32
      %dma_start3A_192 = arith.constant 0 : i32
      %dma_start3A_193 = arith.constant 0 : i32
      %dma_start3A_194 = tpu.memref_slice %arg7[%dma_start3A_191, %dma_start3A_192, %dma_start3A_193] : memref<8x128x32xf32, #tpu.memory_space<vmem>> -> memref<1x128x32xf32, #tpu.memory_space<vmem>>
      %dma_start3A_195 = tpu.memref_squeeze %dma_start3A_194 : memref<1x128x32xf32, #tpu.memory_space<vmem>> -> memref<128x32xf32, #tpu.memory_space<vmem>>
      %dma_start3A_196 = arith.constant 0 : i32
      %dma_start3A_197 = tpu.memref_slice %arg6[%add3A_190, %dma_start3A_196] : memref<200x128xi32, #tpu.memory_space<vmem>> -> memref<1x128xi32, #tpu.memory_space<vmem>>
      %dma_start3A_198 = tpu.memref_squeeze %dma_start3A_197 : memref<1x128xi32, #tpu.memory_space<vmem>> -> memref<128xi32, #tpu.memory_space<vmem>>
      %dma_start3A_199 = arith.constant 0 : i32
      %dma_start3A_200 = arith.constant 0 : i32
      %dma_start3A_201 = tpu.memref_slice %arg3[%dma_start3A_199, %dma_start3A_200] : memref<1000000x32xf32, #tpu.memory_space<hbm>> -> memref<1000000x32xf32, #tpu.memory_space<hbm>>
      tpu.enqueue_indirect_dma source(%dma_start3A_201 : memref<1000000x32xf32, #tpu.memory_space<hbm>>) target(%dma_start3A_195 : memref<128x32xf32, #tpu.memory_space<vmem>>) offsets(%dma_start3A_198 : memref<128xi32, #tpu.memory_space<vmem>>) semaphore(%arg17 : memref<!tpu.dma_semaphore, #tpu.memory_space<semaphore_mem>>)
      %ge3A_202 = arith.constant 1 : i32
      %ge3A_203 = arith.cmpi sge, %scan3A_133, %ge3A_202 : i32
      %convert_element_type3A_204 = arith.extui %ge3A_203 : i1 to i32
      %cond3A_205 = arith.constant 0 : i32
      %cond3A_206 = arith.cmpi ne, %convert_element_type3A_204, %cond3A_205 : i32
      scf.if %cond3A_206 {
        %dma_wait3A_560 = arith.constant 1 : i32
        %dma_wait3A_561 = arith.constant 0 : i32
        %dma_wait3A_562 = arith.constant 0 : i32
        %dma_wait3A_563 = tpu.memref_slice %arg8[%dma_wait3A_560, %dma_wait3A_561, %dma_wait3A_562] : memref<4x32x129xf32, #tpu.memory_space<vmem>> -> memref<1x32x128xf32, #tpu.memory_space<vmem>>
        %dma_wait3A_564 = tpu.memref_squeeze %dma_wait3A_563 : memref<1x32x128xf32, #tpu.memory_space<vmem>> -> memref<32x128xf32, #tpu.memory_space<vmem>>
        %dma_wait3A_565 = arith.constant 0 : i32
        %dma_wait3A_566 = tpu.memref_slice %arg5[%dma_wait3A_565, %mul3A_2] : memref<6400x4096xf32, #tpu.memory_space<hbm>> -> memref<32x128xf32, #tpu.memory_space<hbm>>
        %dma_wait3A_567 = arith.constant 0 : i32
        %dma_wait3A_568 = tpu.memref_slice %arg5[%dma_wait3A_567, %mul3A_2] : memref<6400x4096xf32, #tpu.memory_space<hbm>> -> memref<32x128xf32, #tpu.memory_space<hbm>>
        %dma_wait3A_569 = arith.constant 0 : i32
        %dma_wait3A_570 = arith.constant 0 : i32
        %dma_wait3A_571 = tpu.memref_slice %arg8[%dma_wait3A_560, %dma_wait3A_569, %dma_wait3A_570] : memref<4x32x129xf32, #tpu.memory_space<vmem>> -> memref<1x32x128xf32, #tpu.memory_space<vmem>>
        %dma_wait3A_572 = tpu.memref_squeeze %dma_wait3A_571 : memref<1x32x128xf32, #tpu.memory_space<vmem>> -> memref<32x128xf32, #tpu.memory_space<vmem>>
        tpu.wait_dma2 semaphore(%arg19 : memref<!tpu.dma_semaphore, #tpu.memory_space<semaphore_mem>>) src(%dma_wait3A_572 : memref<32x128xf32, #tpu.memory_space<vmem>>) dst(%dma_wait3A_568 : memref<32x128xf32, #tpu.memory_space<hbm>>)
      } else {
      }
      %dma_wait3A_207 = arith.constant 0 : i32
      %dma_wait3A_208 = arith.constant 1 : i32
      %dma_wait3A_209 = arith.constant 0 : i32
      %dma_wait3A_210 = arith.constant 0 : i32
      %dma_wait3A_211 = tpu.memref_slice %arg7[%dma_wait3A_208, %dma_wait3A_209, %dma_wait3A_210] : memref<8x128x32xf32, #tpu.memory_space<vmem>> -> memref<1x128x32xf32, #tpu.memory_space<vmem>>
      %dma_wait3A_212 = tpu.memref_squeeze %dma_wait3A_211 : memref<1x128x32xf32, #tpu.memory_space<vmem>> -> memref<128x32xf32, #tpu.memory_space<vmem>>
      %dma_wait3A_213 = arith.constant 0 : i32
      %dma_wait3A_214 = tpu.memref_slice %arg6[%dma_wait3A_207, %dma_wait3A_213] : memref<200x128xi32, #tpu.memory_space<vmem>> -> memref<1x128xi32, #tpu.memory_space<vmem>>
      %dma_wait3A_215 = tpu.memref_squeeze %dma_wait3A_214 : memref<1x128xi32, #tpu.memory_space<vmem>> -> memref<128xi32, #tpu.memory_space<vmem>>
      %dma_wait3A_216 = arith.constant 0 : i32
      %dma_wait3A_217 = arith.constant 0 : i32
      %dma_wait3A_218 = tpu.memref_slice %arg3[%dma_wait3A_216, %dma_wait3A_217] : memref<1000000x32xf32, #tpu.memory_space<hbm>> -> memref<1000000x32xf32, #tpu.memory_space<hbm>>
      tpu.wait_indirect_dma semaphore(%arg11 : memref<!tpu.dma_semaphore, #tpu.memory_space<semaphore_mem>>) src(%dma_wait3A_218 : memref<1000000x32xf32, #tpu.memory_space<hbm>>) dst(%dma_wait3A_212 : memref<128x32xf32, #tpu.memory_space<vmem>>)
      %get3A_219 = arith.index_cast %add3A_188 : i32 to index
      %get3A_220 = arith.constant 0 : index
      %get3A_221 = tpu.vector_load %arg9[%get3A_219, %get3A_220] {strides = array<i32>} : memref<200x32xf32, #tpu.memory_space<vmem>>, vector<16xf32>,
      %get3A_222 = arith.index_cast %add3A_188 : i32 to index
      %get3A_223 = arith.constant 16 : index
      %get3A_224 = tpu.vector_load %arg9[%get3A_222, %get3A_223] {strides = array<i32>} : memref<200x32xf32, #tpu.memory_space<vmem>>, vector<16xf32>,
      %parallel_loop3A_225 = arith.constant 0 : i32
      %parallel_loop3A_226 = arith.constant 128 : i32
      %parallel_loop3A_227 = arith.constant 1 : i32
      scf.for %parallel_loop3A_560 = %parallel_loop3A_225 to %parallel_loop3A_226 step %parallel_loop3A_227  : i32 {
        %parallel_loop3A_561 = vector.broadcast %parallel_loop3A_560 : i32 to vector<16xi32>
        %parallel_loop3A_562 = arith.constant 1 : i32
        %parallel_loop3A_563 = arith.index_cast %parallel_loop3A_562 : i32 to index
        %parallel_loop3A_564 = arith.index_cast %parallel_loop3A_560 : i32 to index
        %parallel_loop3A_565 = arith.constant 0 : index
        %parallel_loop3A_566 = tpu.vector_load %arg7[%parallel_loop3A_563, %parallel_loop3A_564, %parallel_loop3A_565] {strides = array<i32>} : memref<8x128x32xf32, #tpu.memory_space<vmem>>, vector<16xf32>,
        %parallel_loop3A_567 = arith.addf %parallel_loop3A_566, %get3A_221 : vector<16xf32>
        %parallel_loop3A_568 = arith.constant 1 : i32
        %parallel_loop3A_569 = arith.index_cast %parallel_loop3A_568 : i32 to index
        %parallel_loop3A_570 = arith.index_cast %parallel_loop3A_560 : i32 to index
        %parallel_loop3A_571 = arith.constant 16 : index
        %parallel_loop3A_572 = tpu.vector_load %arg7[%parallel_loop3A_569, %parallel_loop3A_570, %parallel_loop3A_571] {strides = array<i32>} : memref<8x128x32xf32, #tpu.memory_space<vmem>>, vector<16xf32>,
        %parallel_loop3A_573 = arith.addf %parallel_loop3A_572, %get3A_224 : vector<16xf32>
        %parallel_loop3A_574 = arith.constant 1 : i32
        %parallel_loop3A_575 = arith.constant 0 : i32
        %parallel_loop3A_576 = arith.constant 0 : i32
        %parallel_loop3A_577 = tpu.memref_slice %arg8[%parallel_loop3A_574, %parallel_loop3A_575, %parallel_loop3A_576] : memref<4x32x129xf32, #tpu.memory_space<vmem>> -> memref<1x32x129xf32, #tpu.memory_space<vmem>>
        %parallel_loop3A_578 = tpu.memref_squeeze %parallel_loop3A_577 : memref<1x32x129xf32, #tpu.memory_space<vmem>> -> memref<32x129xf32, #tpu.memory_space<vmem>>
        tpu.vector_store_idx %parallel_loop3A_578[%iota3A, %parallel_loop3A_561], %parallel_loop3A_567 : memref<32x129xf32, #tpu.memory_space<vmem>>[vector<16xi32>, vector<16xi32>], vector<16xf32>,
        %parallel_loop3A_579 = arith.constant 1 : i32
        %parallel_loop3A_580 = arith.constant 0 : i32
        %parallel_loop3A_581 = arith.constant 0 : i32
        %parallel_loop3A_582 = tpu.memref_slice %arg8[%parallel_loop3A_579, %parallel_loop3A_580, %parallel_loop3A_581] : memref<4x32x129xf32, #tpu.memory_space<vmem>> -> memref<1x32x129xf32, #tpu.memory_space<vmem>>
        %parallel_loop3A_583 = tpu.memref_squeeze %parallel_loop3A_582 : memref<1x32x129xf32, #tpu.memory_space<vmem>> -> memref<32x129xf32, #tpu.memory_space<vmem>>
        tpu.vector_store_idx %parallel_loop3A_583[%add3A_76, %parallel_loop3A_561], %parallel_loop3A_573 : memref<32x129xf32, #tpu.memory_space<vmem>>[vector<16xi32>, vector<16xi32>], vector<16xf32>,
      } {sc.loop_unroll_factor = 4 : i64, sc.parallel_access}
      %mul3A_228 = arith.constant 32 : i32
      %mul3A_229 = arith.muli %add3A_188, %mul3A_228 : i32
      %dma_start3A_230 = arith.constant 1 : i32
      %dma_start3A_231 = arith.constant 0 : i32
      %dma_start3A_232 = arith.constant 0 : i32
      %dma_start3A_233 = tpu.memref_slice %arg8[%dma_start3A_230, %dma_start3A_231, %dma_start3A_232] : memref<4x32x129xf32, #tpu.memory_space<vmem>> -> memref<1x32x128xf32, #tpu.memory_space<vmem>>
      %dma_start3A_234 = tpu.memref_squeeze %dma_start3A_233 : memref<1x32x128xf32, #tpu.memory_space<vmem>> -> memref<32x128xf32, #tpu.memory_space<vmem>>
      %dma_start3A_235 = tpu.memref_slice %arg5[%mul3A_229, %mul3A_2] : memref<6400x4096xf32, #tpu.memory_space<hbm>> -> memref<32x128xf32, #tpu.memory_space<hbm>>
      %dma_start3A_236 = tpu.memref_slice %arg5[%mul3A_229, %mul3A_2] : memref<6400x4096xf32, #tpu.memory_space<hbm>> -> memref<32x128xf32, #tpu.memory_space<hbm>>
      %dma_start3A_237 = arith.constant 0 : i32
      %dma_start3A_238 = arith.constant 0 : i32
      %dma_start3A_239 = tpu.memref_slice %arg8[%dma_start3A_230, %dma_start3A_237, %dma_start3A_238] : memref<4x32x129xf32, #tpu.memory_space<vmem>> -> memref<1x32x128xf32, #tpu.memory_space<vmem>>
      %dma_start3A_240 = tpu.memref_squeeze %dma_start3A_239 : memref<1x32x128xf32, #tpu.memory_space<vmem>> -> memref<32x128xf32, #tpu.memory_space<vmem>>
      tpu.enqueue_dma source(%dma_start3A_240 : memref<32x128xf32, #tpu.memory_space<vmem>>) target(%dma_start3A_236 : memref<32x128xf32, #tpu.memory_space<hbm>>) target_semaphore(%arg19 : memref<!tpu.dma_semaphore, #tpu.memory_space<semaphore_mem>>)
      %mul3A_241 = arith.constant 8 : i32
      %mul3A_242 = arith.muli %mul3A_241, %scan3A_133 : i32
      %add3A_243 = arith.constant 2 : i32
      %add3A_244 = arith.addi %mul3A_242, %add3A_243 : i32
      %le3A = arith.constant 23 : i32
      %le3A_245 = arith.cmpi sle, %scan3A_133, %le3A : i32
      %convert_element_type3A_246 = arith.extui %le3A_245 : i1 to i32
      %cond3A_247 = arith.constant 0 : i32
      %cond3A_248 = arith.cmpi ne, %convert_element_type3A_246, %cond3A_247 : i32
      scf.if %cond3A_248 {
        %add3A_560 = arith.constant 6 : i32
        %add3A_561 = arith.addi %add3A_244, %add3A_560 : i32
        %dma_start3A_562 = arith.constant 0 : i32
        %dma_start3A_563 = arith.constant 0 : i32
        %dma_start3A_564 = arith.constant 0 : i32
        %dma_start3A_565 = tpu.memref_slice %arg7[%dma_start3A_562, %dma_start3A_563, %dma_start3A_564] : memref<8x128x32xf32, #tpu.memory_space<vmem>> -> memref<1x128x32xf32, #tpu.memory_space<vmem>>
        %dma_start3A_566 = tpu.memref_squeeze %dma_start3A_565 : memref<1x128x32xf32, #tpu.memory_space<vmem>> -> memref<128x32xf32, #tpu.memory_space<vmem>>
        %dma_start3A_567 = arith.constant 0 : i32
        %dma_start3A_568 = tpu.memref_slice %arg6[%add3A_561, %dma_start3A_567] : memref<200x128xi32, #tpu.memory_space<vmem>> -> memref<1x128xi32, #tpu.memory_space<vmem>>
        %dma_start3A_569 = tpu.memref_squeeze %dma_start3A_568 : memref<1x128xi32, #tpu.memory_space<vmem>> -> memref<128xi32, #tpu.memory_space<vmem>>
        %dma_start3A_570 = arith.constant 0 : i32
        %dma_start3A_571 = arith.constant 0 : i32
        %dma_start3A_572 = tpu.memref_slice %arg3[%dma_start3A_570, %dma_start3A_571] : memref<1000000x32xf32, #tpu.memory_space<hbm>> -> memref<1000000x32xf32, #tpu.memory_space<hbm>>
        tpu.enqueue_indirect_dma source(%dma_start3A_572 : memref<1000000x32xf32, #tpu.memory_space<hbm>>) target(%dma_start3A_566 : memref<128x32xf32, #tpu.memory_space<vmem>>) offsets(%dma_start3A_569 : memref<128xi32, #tpu.memory_space<vmem>>) semaphore(%arg10 : memref<!tpu.dma_semaphore, #tpu.memory_space<semaphore_mem>>)
      } else {
      }
      %ge3A_249 = arith.constant 1 : i32
      %ge3A_250 = arith.cmpi sge, %scan3A_133, %ge3A_249 : i32
      %convert_element_type3A_251 = arith.extui %ge3A_250 : i1 to i32
      %cond3A_252 = arith.constant 0 : i32
      %cond3A_253 = arith.cmpi ne, %convert_element_type3A_251, %cond3A_252 : i32
      scf.if %cond3A_253 {
        %dma_wait3A_560 = arith.constant 2 : i32
        %dma_wait3A_561 = arith.constant 0 : i32
        %dma_wait3A_562 = arith.constant 0 : i32
        %dma_wait3A_563 = tpu.memref_slice %arg8[%dma_wait3A_560, %dma_wait3A_561, %dma_wait3A_562] : memref<4x32x129xf32, #tpu.memory_space<vmem>> -> memref<1x32x128xf32, #tpu.memory_space<vmem>>
        %dma_wait3A_564 = tpu.memref_squeeze %dma_wait3A_563 : memref<1x32x128xf32, #tpu.memory_space<vmem>> -> memref<32x128xf32, #tpu.memory_space<vmem>>
        %dma_wait3A_565 = arith.constant 0 : i32
        %dma_wait3A_566 = tpu.memref_slice %arg5[%dma_wait3A_565, %mul3A_2] : memref<6400x4096xf32, #tpu.memory_space<hbm>> -> memref<32x128xf32, #tpu.memory_space<hbm>>
        %dma_wait3A_567 = arith.constant 0 : i32
        %dma_wait3A_568 = tpu.memref_slice %arg5[%dma_wait3A_567, %mul3A_2] : memref<6400x4096xf32, #tpu.memory_space<hbm>> -> memref<32x128xf32, #tpu.memory_space<hbm>>
        %dma_wait3A_569 = arith.constant 0 : i32
        %dma_wait3A_570 = arith.constant 0 : i32
        %dma_wait3A_571 = tpu.memref_slice %arg8[%dma_wait3A_560, %dma_wait3A_569, %dma_wait3A_570] : memref<4x32x129xf32, #tpu.memory_space<vmem>> -> memref<1x32x128xf32, #tpu.memory_space<vmem>>
        %dma_wait3A_572 = tpu.memref_squeeze %dma_wait3A_571 : memref<1x32x128xf32, #tpu.memory_space<vmem>> -> memref<32x128xf32, #tpu.memory_space<vmem>>
        tpu.wait_dma2 semaphore(%arg20 : memref<!tpu.dma_semaphore, #tpu.memory_space<semaphore_mem>>) src(%dma_wait3A_572 : memref<32x128xf32, #tpu.memory_space<vmem>>) dst(%dma_wait3A_568 : memref<32x128xf32, #tpu.memory_space<hbm>>)
      } else {
      }
      %dma_wait3A_254 = arith.constant 0 : i32
      %dma_wait3A_255 = arith.constant 2 : i32
      %dma_wait3A_256 = arith.constant 0 : i32
      %dma_wait3A_257 = arith.constant 0 : i32
      %dma_wait3A_258 = tpu.memref_slice %arg7[%dma_wait3A_255, %dma_wait3A_256, %dma_wait3A_257] : memref<8x128x32xf32, #tpu.memory_space<vmem>> -> memref<1x128x32xf32, #tpu.memory_space<vmem>>
      %dma_wait3A_259 = tpu.memref_squeeze %dma_wait3A_258 : memref<1x128x32xf32, #tpu.memory_space<vmem>> -> memref<128x32xf32, #tpu.memory_space<vmem>>
      %dma_wait3A_260 = arith.constant 0 : i32
      %dma_wait3A_261 = tpu.memref_slice %arg6[%dma_wait3A_254, %dma_wait3A_260] : memref<200x128xi32, #tpu.memory_space<vmem>> -> memref<1x128xi32, #tpu.memory_space<vmem>>
      %dma_wait3A_262 = tpu.memref_squeeze %dma_wait3A_261 : memref<1x128xi32, #tpu.memory_space<vmem>> -> memref<128xi32, #tpu.memory_space<vmem>>
      %dma_wait3A_263 = arith.constant 0 : i32
      %dma_wait3A_264 = arith.constant 0 : i32
      %dma_wait3A_265 = tpu.memref_slice %arg3[%dma_wait3A_263, %dma_wait3A_264] : memref<1000000x32xf32, #tpu.memory_space<hbm>> -> memref<1000000x32xf32, #tpu.memory_space<hbm>>
      tpu.wait_indirect_dma semaphore(%arg12 : memref<!tpu.dma_semaphore, #tpu.memory_space<semaphore_mem>>) src(%dma_wait3A_265 : memref<1000000x32xf32, #tpu.memory_space<hbm>>) dst(%dma_wait3A_259 : memref<128x32xf32, #tpu.memory_space<vmem>>)
      %get3A_266 = arith.index_cast %add3A_244 : i32 to index
      %get3A_267 = arith.constant 0 : index
      %get3A_268 = tpu.vector_load %arg9[%get3A_266, %get3A_267] {strides = array<i32>} : memref<200x32xf32, #tpu.memory_space<vmem>>, vector<16xf32>,
      %get3A_269 = arith.index_cast %add3A_244 : i32 to index
      %get3A_270 = arith.constant 16 : index
      %get3A_271 = tpu.vector_load %arg9[%get3A_269, %get3A_270] {strides = array<i32>} : memref<200x32xf32, #tpu.memory_space<vmem>>, vector<16xf32>,
      %parallel_loop3A_272 = arith.constant 0 : i32
      %parallel_loop3A_273 = arith.constant 128 : i32
      %parallel_loop3A_274 = arith.constant 1 : i32
      scf.for %parallel_loop3A_560 = %parallel_loop3A_272 to %parallel_loop3A_273 step %parallel_loop3A_274  : i32 {
        %parallel_loop3A_561 = vector.broadcast %parallel_loop3A_560 : i32 to vector<16xi32>
        %parallel_loop3A_562 = arith.constant 2 : i32
        %parallel_loop3A_563 = arith.index_cast %parallel_loop3A_562 : i32 to index
        %parallel_loop3A_564 = arith.index_cast %parallel_loop3A_560 : i32 to index
        %parallel_loop3A_565 = arith.constant 0 : index
        %parallel_loop3A_566 = tpu.vector_load %arg7[%parallel_loop3A_563, %parallel_loop3A_564, %parallel_loop3A_565] {strides = array<i32>} : memref<8x128x32xf32, #tpu.memory_space<vmem>>, vector<16xf32>,
        %parallel_loop3A_567 = arith.addf %parallel_loop3A_566, %get3A_268 : vector<16xf32>
        %parallel_loop3A_568 = arith.constant 2 : i32
        %parallel_loop3A_569 = arith.index_cast %parallel_loop3A_568 : i32 to index
        %parallel_loop3A_570 = arith.index_cast %parallel_loop3A_560 : i32 to index
        %parallel_loop3A_571 = arith.constant 16 : index
        %parallel_loop3A_572 = tpu.vector_load %arg7[%parallel_loop3A_569, %parallel_loop3A_570, %parallel_loop3A_571] {strides = array<i32>} : memref<8x128x32xf32, #tpu.memory_space<vmem>>, vector<16xf32>,
        %parallel_loop3A_573 = arith.addf %parallel_loop3A_572, %get3A_271 : vector<16xf32>
        %parallel_loop3A_574 = arith.constant 2 : i32
        %parallel_loop3A_575 = arith.constant 0 : i32
        %parallel_loop3A_576 = arith.constant 0 : i32
        %parallel_loop3A_577 = tpu.memref_slice %arg8[%parallel_loop3A_574, %parallel_loop3A_575, %parallel_loop3A_576] : memref<4x32x129xf32, #tpu.memory_space<vmem>> -> memref<1x32x129xf32, #tpu.memory_space<vmem>>
        %parallel_loop3A_578 = tpu.memref_squeeze %parallel_loop3A_577 : memref<1x32x129xf32, #tpu.memory_space<vmem>> -> memref<32x129xf32, #tpu.memory_space<vmem>>
        tpu.vector_store_idx %parallel_loop3A_578[%iota3A, %parallel_loop3A_561], %parallel_loop3A_567 : memref<32x129xf32, #tpu.memory_space<vmem>>[vector<16xi32>, vector<16xi32>], vector<16xf32>,
        %parallel_loop3A_579 = arith.constant 2 : i32
        %parallel_loop3A_580 = arith.constant 0 : i32
        %parallel_loop3A_581 = arith.constant 0 : i32
        %parallel_loop3A_582 = tpu.memref_slice %arg8[%parallel_loop3A_579, %parallel_loop3A_580, %parallel_loop3A_581] : memref<4x32x129xf32, #tpu.memory_space<vmem>> -> memref<1x32x129xf32, #tpu.memory_space<vmem>>
        %parallel_loop3A_583 = tpu.memref_squeeze %parallel_loop3A_582 : memref<1x32x129xf32, #tpu.memory_space<vmem>> -> memref<32x129xf32, #tpu.memory_space<vmem>>
        tpu.vector_store_idx %parallel_loop3A_583[%add3A_76, %parallel_loop3A_561], %parallel_loop3A_573 : memref<32x129xf32, #tpu.memory_space<vmem>>[vector<16xi32>, vector<16xi32>], vector<16xf32>,
      } {sc.loop_unroll_factor = 4 : i64, sc.parallel_access}
      %mul3A_275 = arith.constant 32 : i32
      %mul3A_276 = arith.muli %add3A_244, %mul3A_275 : i32
      %dma_start3A_277 = arith.constant 2 : i32
      %dma_start3A_278 = arith.constant 0 : i32
      %dma_start3A_279 = arith.constant 0 : i32
      %dma_start3A_280 = tpu.memref_slice %arg8[%dma_start3A_277, %dma_start3A_278, %dma_start3A_279] : memref<4x32x129xf32, #tpu.memory_space<vmem>> -> memref<1x32x128xf32, #tpu.memory_space<vmem>>
      %dma_start3A_281 = tpu.memref_squeeze %dma_start3A_280 : memref<1x32x128xf32, #tpu.memory_space<vmem>> -> memref<32x128xf32, #tpu.memory_space<vmem>>
      %dma_start3A_282 = tpu.memref_slice %arg5[%mul3A_276, %mul3A_2] : memref<6400x4096xf32, #tpu.memory_space<hbm>> -> memref<32x128xf32, #tpu.memory_space<hbm>>
      %dma_start3A_283 = tpu.memref_slice %arg5[%mul3A_276, %mul3A_2] : memref<6400x4096xf32, #tpu.memory_space<hbm>> -> memref<32x128xf32, #tpu.memory_space<hbm>>
      %dma_start3A_284 = arith.constant 0 : i32
      %dma_start3A_285 = arith.constant 0 : i32
      %dma_start3A_286 = tpu.memref_slice %arg8[%dma_start3A_277, %dma_start3A_284, %dma_start3A_285] : memref<4x32x129xf32, #tpu.memory_space<vmem>> -> memref<1x32x128xf32, #tpu.memory_space<vmem>>
      %dma_start3A_287 = tpu.memref_squeeze %dma_start3A_286 : memref<1x32x128xf32, #tpu.memory_space<vmem>> -> memref<32x128xf32, #tpu.memory_space<vmem>>
      tpu.enqueue_dma source(%dma_start3A_287 : memref<32x128xf32, #tpu.memory_space<vmem>>) target(%dma_start3A_283 : memref<32x128xf32, #tpu.memory_space<hbm>>) target_semaphore(%arg20 : memref<!tpu.dma_semaphore, #tpu.memory_space<semaphore_mem>>)
      %mul3A_288 = arith.constant 8 : i32
      %mul3A_289 = arith.muli %mul3A_288, %scan3A_133 : i32
      %add3A_290 = arith.constant 3 : i32
      %add3A_291 = arith.addi %mul3A_289, %add3A_290 : i32
      %le3A_292 = arith.constant 23 : i32
      %le3A_293 = arith.cmpi sle, %scan3A_133, %le3A_292 : i32
      %convert_element_type3A_294 = arith.extui %le3A_293 : i1 to i32
      %cond3A_295 = arith.constant 0 : i32
      %cond3A_296 = arith.cmpi ne, %convert_element_type3A_294, %cond3A_295 : i32
      scf.if %cond3A_296 {
        %add3A_560 = arith.constant 6 : i32
        %add3A_561 = arith.addi %add3A_291, %add3A_560 : i32
        %dma_start3A_562 = arith.constant 1 : i32
        %dma_start3A_563 = arith.constant 0 : i32
        %dma_start3A_564 = arith.constant 0 : i32
        %dma_start3A_565 = tpu.memref_slice %arg7[%dma_start3A_562, %dma_start3A_563, %dma_start3A_564] : memref<8x128x32xf32, #tpu.memory_space<vmem>> -> memref<1x128x32xf32, #tpu.memory_space<vmem>>
        %dma_start3A_566 = tpu.memref_squeeze %dma_start3A_565 : memref<1x128x32xf32, #tpu.memory_space<vmem>> -> memref<128x32xf32, #tpu.memory_space<vmem>>
        %dma_start3A_567 = arith.constant 0 : i32
        %dma_start3A_568 = tpu.memref_slice %arg6[%add3A_561, %dma_start3A_567] : memref<200x128xi32, #tpu.memory_space<vmem>> -> memref<1x128xi32, #tpu.memory_space<vmem>>
        %dma_start3A_569 = tpu.memref_squeeze %dma_start3A_568 : memref<1x128xi32, #tpu.memory_space<vmem>> -> memref<128xi32, #tpu.memory_space<vmem>>
        %dma_start3A_570 = arith.constant 0 : i32
        %dma_start3A_571 = arith.constant 0 : i32
        %dma_start3A_572 = tpu.memref_slice %arg3[%dma_start3A_570, %dma_start3A_571] : memref<1000000x32xf32, #tpu.memory_space<hbm>> -> memref<1000000x32xf32, #tpu.memory_space<hbm>>
        tpu.enqueue_indirect_dma source(%dma_start3A_572 : memref<1000000x32xf32, #tpu.memory_space<hbm>>) target(%dma_start3A_566 : memref<128x32xf32, #tpu.memory_space<vmem>>) offsets(%dma_start3A_569 : memref<128xi32, #tpu.memory_space<vmem>>) semaphore(%arg11 : memref<!tpu.dma_semaphore, #tpu.memory_space<semaphore_mem>>)
      } else {
      }
      %ge3A_297 = arith.constant 1 : i32
      %ge3A_298 = arith.cmpi sge, %scan3A_133, %ge3A_297 : i32
      %convert_element_type3A_299 = arith.extui %ge3A_298 : i1 to i32
      %cond3A_300 = arith.constant 0 : i32
      %cond3A_301 = arith.cmpi ne, %convert_element_type3A_299, %cond3A_300 : i32
      scf.if %cond3A_301 {
        %dma_wait3A_560 = arith.constant 3 : i32
        %dma_wait3A_561 = arith.constant 0 : i32
        %dma_wait3A_562 = arith.constant 0 : i32
        %dma_wait3A_563 = tpu.memref_slice %arg8[%dma_wait3A_560, %dma_wait3A_561, %dma_wait3A_562] : memref<4x32x129xf32, #tpu.memory_space<vmem>> -> memref<1x32x128xf32, #tpu.memory_space<vmem>>
        %dma_wait3A_564 = tpu.memref_squeeze %dma_wait3A_563 : memref<1x32x128xf32, #tpu.memory_space<vmem>> -> memref<32x128xf32, #tpu.memory_space<vmem>>
        %dma_wait3A_565 = arith.constant 0 : i32
        %dma_wait3A_566 = tpu.memref_slice %arg5[%dma_wait3A_565, %mul3A_2] : memref<6400x4096xf32, #tpu.memory_space<hbm>> -> memref<32x128xf32, #tpu.memory_space<hbm>>
        %dma_wait3A_567 = arith.constant 0 : i32
        %dma_wait3A_568 = tpu.memref_slice %arg5[%dma_wait3A_567, %mul3A_2] : memref<6400x4096xf32, #tpu.memory_space<hbm>> -> memref<32x128xf32, #tpu.memory_space<hbm>>
        %dma_wait3A_569 = arith.constant 0 : i32
        %dma_wait3A_570 = arith.constant 0 : i32
        %dma_wait3A_571 = tpu.memref_slice %arg8[%dma_wait3A_560, %dma_wait3A_569, %dma_wait3A_570] : memref<4x32x129xf32, #tpu.memory_space<vmem>> -> memref<1x32x128xf32, #tpu.memory_space<vmem>>
        %dma_wait3A_572 = tpu.memref_squeeze %dma_wait3A_571 : memref<1x32x128xf32, #tpu.memory_space<vmem>> -> memref<32x128xf32, #tpu.memory_space<vmem>>
        tpu.wait_dma2 semaphore(%arg21 : memref<!tpu.dma_semaphore, #tpu.memory_space<semaphore_mem>>) src(%dma_wait3A_572 : memref<32x128xf32, #tpu.memory_space<vmem>>) dst(%dma_wait3A_568 : memref<32x128xf32, #tpu.memory_space<hbm>>)
      } else {
      }
      %dma_wait3A_302 = arith.constant 0 : i32
      %dma_wait3A_303 = arith.constant 3 : i32
      %dma_wait3A_304 = arith.constant 0 : i32
      %dma_wait3A_305 = arith.constant 0 : i32
      %dma_wait3A_306 = tpu.memref_slice %arg7[%dma_wait3A_303, %dma_wait3A_304, %dma_wait3A_305] : memref<8x128x32xf32, #tpu.memory_space<vmem>> -> memref<1x128x32xf32, #tpu.memory_space<vmem>>
      %dma_wait3A_307 = tpu.memref_squeeze %dma_wait3A_306 : memref<1x128x32xf32, #tpu.memory_space<vmem>> -> memref<128x32xf32, #tpu.memory_space<vmem>>
      %dma_wait3A_308 = arith.constant 0 : i32
      %dma_wait3A_309 = tpu.memref_slice %arg6[%dma_wait3A_302, %dma_wait3A_308] : memref<200x128xi32, #tpu.memory_space<vmem>> -> memref<1x128xi32, #tpu.memory_space<vmem>>
      %dma_wait3A_310 = tpu.memref_squeeze %dma_wait3A_309 : memref<1x128xi32, #tpu.memory_space<vmem>> -> memref<128xi32, #tpu.memory_space<vmem>>
      %dma_wait3A_311 = arith.constant 0 : i32
      %dma_wait3A_312 = arith.constant 0 : i32
      %dma_wait3A_313 = tpu.memref_slice %arg3[%dma_wait3A_311, %dma_wait3A_312] : memref<1000000x32xf32, #tpu.memory_space<hbm>> -> memref<1000000x32xf32, #tpu.memory_space<hbm>>
      tpu.wait_indirect_dma semaphore(%arg13 : memref<!tpu.dma_semaphore, #tpu.memory_space<semaphore_mem>>) src(%dma_wait3A_313 : memref<1000000x32xf32, #tpu.memory_space<hbm>>) dst(%dma_wait3A_307 : memref<128x32xf32, #tpu.memory_space<vmem>>)
      %get3A_314 = arith.index_cast %add3A_291 : i32 to index
      %get3A_315 = arith.constant 0 : index
      %get3A_316 = tpu.vector_load %arg9[%get3A_314, %get3A_315] {strides = array<i32>} : memref<200x32xf32, #tpu.memory_space<vmem>>, vector<16xf32>,
      %get3A_317 = arith.index_cast %add3A_291 : i32 to index
      %get3A_318 = arith.constant 16 : index
      %get3A_319 = tpu.vector_load %arg9[%get3A_317, %get3A_318] {strides = array<i32>} : memref<200x32xf32, #tpu.memory_space<vmem>>, vector<16xf32>,
      %parallel_loop3A_320 = arith.constant 0 : i32
      %parallel_loop3A_321 = arith.constant 128 : i32
      %parallel_loop3A_322 = arith.constant 1 : i32
      scf.for %parallel_loop3A_560 = %parallel_loop3A_320 to %parallel_loop3A_321 step %parallel_loop3A_322  : i32 {
        %parallel_loop3A_561 = vector.broadcast %parallel_loop3A_560 : i32 to vector<16xi32>
        %parallel_loop3A_562 = arith.constant 3 : i32
        %parallel_loop3A_563 = arith.index_cast %parallel_loop3A_562 : i32 to index
        %parallel_loop3A_564 = arith.index_cast %parallel_loop3A_560 : i32 to index
        %parallel_loop3A_565 = arith.constant 0 : index
        %parallel_loop3A_566 = tpu.vector_load %arg7[%parallel_loop3A_563, %parallel_loop3A_564, %parallel_loop3A_565] {strides = array<i32>} : memref<8x128x32xf32, #tpu.memory_space<vmem>>, vector<16xf32>,
        %parallel_loop3A_567 = arith.addf %parallel_loop3A_566, %get3A_316 : vector<16xf32>
        %parallel_loop3A_568 = arith.constant 3 : i32
        %parallel_loop3A_569 = arith.index_cast %parallel_loop3A_568 : i32 to index
        %parallel_loop3A_570 = arith.index_cast %parallel_loop3A_560 : i32 to index
        %parallel_loop3A_571 = arith.constant 16 : index
        %parallel_loop3A_572 = tpu.vector_load %arg7[%parallel_loop3A_569, %parallel_loop3A_570, %parallel_loop3A_571] {strides = array<i32>} : memref<8x128x32xf32, #tpu.memory_space<vmem>>, vector<16xf32>,
        %parallel_loop3A_573 = arith.addf %parallel_loop3A_572, %get3A_319 : vector<16xf32>
        %parallel_loop3A_574 = arith.constant 3 : i32
        %parallel_loop3A_575 = arith.constant 0 : i32
        %parallel_loop3A_576 = arith.constant 0 : i32
        %parallel_loop3A_577 = tpu.memref_slice %arg8[%parallel_loop3A_574, %parallel_loop3A_575, %parallel_loop3A_576] : memref<4x32x129xf32, #tpu.memory_space<vmem>> -> memref<1x32x129xf32, #tpu.memory_space<vmem>>
        %parallel_loop3A_578 = tpu.memref_squeeze %parallel_loop3A_577 : memref<1x32x129xf32, #tpu.memory_space<vmem>> -> memref<32x129xf32, #tpu.memory_space<vmem>>
        tpu.vector_store_idx %parallel_loop3A_578[%iota3A, %parallel_loop3A_561], %parallel_loop3A_567 : memref<32x129xf32, #tpu.memory_space<vmem>>[vector<16xi32>, vector<16xi32>], vector<16xf32>,
        %parallel_loop3A_579 = arith.constant 3 : i32
        %parallel_loop3A_580 = arith.constant 0 : i32
        %parallel_loop3A_581 = arith.constant 0 : i32
        %parallel_loop3A_582 = tpu.memref_slice %arg8[%parallel_loop3A_579, %parallel_loop3A_580, %parallel_loop3A_581] : memref<4x32x129xf32, #tpu.memory_space<vmem>> -> memref<1x32x129xf32, #tpu.memory_space<vmem>>
        %parallel_loop3A_583 = tpu.memref_squeeze %parallel_loop3A_582 : memref<1x32x129xf32, #tpu.memory_space<vmem>> -> memref<32x129xf32, #tpu.memory_space<vmem>>
        tpu.vector_store_idx %parallel_loop3A_583[%add3A_76, %parallel_loop3A_561], %parallel_loop3A_573 : memref<32x129xf32, #tpu.memory_space<vmem>>[vector<16xi32>, vector<16xi32>], vector<16xf32>,
      } {sc.loop_unroll_factor = 4 : i64, sc.parallel_access}
      %mul3A_323 = arith.constant 32 : i32
      %mul3A_324 = arith.muli %add3A_291, %mul3A_323 : i32
      %dma_start3A_325 = arith.constant 3 : i32
      %dma_start3A_326 = arith.constant 0 : i32
      %dma_start3A_327 = arith.constant 0 : i32
      %dma_start3A_328 = tpu.memref_slice %arg8[%dma_start3A_325, %dma_start3A_326, %dma_start3A_327] : memref<4x32x129xf32, #tpu.memory_space<vmem>> -> memref<1x32x128xf32, #tpu.memory_space<vmem>>
      %dma_start3A_329 = tpu.memref_squeeze %dma_start3A_328 : memref<1x32x128xf32, #tpu.memory_space<vmem>> -> memref<32x128xf32, #tpu.memory_space<vmem>>
      %dma_start3A_330 = tpu.memref_slice %arg5[%mul3A_324, %mul3A_2] : memref<6400x4096xf32, #tpu.memory_space<hbm>> -> memref<32x128xf32, #tpu.memory_space<hbm>>
      %dma_start3A_331 = tpu.memref_slice %arg5[%mul3A_324, %mul3A_2] : memref<6400x4096xf32, #tpu.memory_space<hbm>> -> memref<32x128xf32, #tpu.memory_space<hbm>>
      %dma_start3A_332 = arith.constant 0 : i32
      %dma_start3A_333 = arith.constant 0 : i32
      %dma_start3A_334 = tpu.memref_slice %arg8[%dma_start3A_325, %dma_start3A_332, %dma_start3A_333] : memref<4x32x129xf32, #tpu.memory_space<vmem>> -> memref<1x32x128xf32, #tpu.memory_space<vmem>>
      %dma_start3A_335 = tpu.memref_squeeze %dma_start3A_334 : memref<1x32x128xf32, #tpu.memory_space<vmem>> -> memref<32x128xf32, #tpu.memory_space<vmem>>
      tpu.enqueue_dma source(%dma_start3A_335 : memref<32x128xf32, #tpu.memory_space<vmem>>) target(%dma_start3A_331 : memref<32x128xf32, #tpu.memory_space<hbm>>) target_semaphore(%arg21 : memref<!tpu.dma_semaphore, #tpu.memory_space<semaphore_mem>>)
      %mul3A_336 = arith.constant 8 : i32
      %mul3A_337 = arith.muli %mul3A_336, %scan3A_133 : i32
      %add3A_338 = arith.constant 4 : i32
      %add3A_339 = arith.addi %mul3A_337, %add3A_338 : i32
      %le3A_340 = arith.constant 23 : i32
      %le3A_341 = arith.cmpi sle, %scan3A_133, %le3A_340 : i32
      %convert_element_type3A_342 = arith.extui %le3A_341 : i1 to i32
      %cond3A_343 = arith.constant 0 : i32
      %cond3A_344 = arith.cmpi ne, %convert_element_type3A_342, %cond3A_343 : i32
      scf.if %cond3A_344 {
        %add3A_560 = arith.constant 6 : i32
        %add3A_561 = arith.addi %add3A_339, %add3A_560 : i32
        %dma_start3A_562 = arith.constant 2 : i32
        %dma_start3A_563 = arith.constant 0 : i32
        %dma_start3A_564 = arith.constant 0 : i32
        %dma_start3A_565 = tpu.memref_slice %arg7[%dma_start3A_562, %dma_start3A_563, %dma_start3A_564] : memref<8x128x32xf32, #tpu.memory_space<vmem>> -> memref<1x128x32xf32, #tpu.memory_space<vmem>>
        %dma_start3A_566 = tpu.memref_squeeze %dma_start3A_565 : memref<1x128x32xf32, #tpu.memory_space<vmem>> -> memref<128x32xf32, #tpu.memory_space<vmem>>
        %dma_start3A_567 = arith.constant 0 : i32
        %dma_start3A_568 = tpu.memref_slice %arg6[%add3A_561, %dma_start3A_567] : memref<200x128xi32, #tpu.memory_space<vmem>> -> memref<1x128xi32, #tpu.memory_space<vmem>>
        %dma_start3A_569 = tpu.memref_squeeze %dma_start3A_568 : memref<1x128xi32, #tpu.memory_space<vmem>> -> memref<128xi32, #tpu.memory_space<vmem>>
        %dma_start3A_570 = arith.constant 0 : i32
        %dma_start3A_571 = arith.constant 0 : i32
        %dma_start3A_572 = tpu.memref_slice %arg3[%dma_start3A_570, %dma_start3A_571] : memref<1000000x32xf32, #tpu.memory_space<hbm>> -> memref<1000000x32xf32, #tpu.memory_space<hbm>>
        tpu.enqueue_indirect_dma source(%dma_start3A_572 : memref<1000000x32xf32, #tpu.memory_space<hbm>>) target(%dma_start3A_566 : memref<128x32xf32, #tpu.memory_space<vmem>>) offsets(%dma_start3A_569 : memref<128xi32, #tpu.memory_space<vmem>>) semaphore(%arg12 : memref<!tpu.dma_semaphore, #tpu.memory_space<semaphore_mem>>)
      } else {
      }
      %dma_wait3A_345 = arith.constant 0 : i32
      %dma_wait3A_346 = arith.constant 0 : i32
      %dma_wait3A_347 = arith.constant 0 : i32
      %dma_wait3A_348 = tpu.memref_slice %arg8[%dma_wait3A_345, %dma_wait3A_346, %dma_wait3A_347] : memref<4x32x129xf32, #tpu.memory_space<vmem>> -> memref<1x32x128xf32, #tpu.memory_space<vmem>>
      %dma_wait3A_349 = tpu.memref_squeeze %dma_wait3A_348 : memref<1x32x128xf32, #tpu.memory_space<vmem>> -> memref<32x128xf32, #tpu.memory_space<vmem>>
      %dma_wait3A_350 = arith.constant 0 : i32
      %dma_wait3A_351 = tpu.memref_slice %arg5[%dma_wait3A_350, %mul3A_2] : memref<6400x4096xf32, #tpu.memory_space<hbm>> -> memref<32x128xf32, #tpu.memory_space<hbm>>
      %dma_wait3A_352 = arith.constant 0 : i32
      %dma_wait3A_353 = tpu.memref_slice %arg5[%dma_wait3A_352, %mul3A_2] : memref<6400x4096xf32, #tpu.memory_space<hbm>> -> memref<32x128xf32, #tpu.memory_space<hbm>>
      %dma_wait3A_354 = arith.constant 0 : i32
      %dma_wait3A_355 = arith.constant 0 : i32
      %dma_wait3A_356 = tpu.memref_slice %arg8[%dma_wait3A_345, %dma_wait3A_354, %dma_wait3A_355] : memref<4x32x129xf32, #tpu.memory_space<vmem>> -> memref<1x32x128xf32, #tpu.memory_space<vmem>>
      %dma_wait3A_357 = tpu.memref_squeeze %dma_wait3A_356 : memref<1x32x128xf32, #tpu.memory_space<vmem>> -> memref<32x128xf32, #tpu.memory_space<vmem>>
      tpu.wait_dma2 semaphore(%arg18 : memref<!tpu.dma_semaphore, #tpu.memory_space<semaphore_mem>>) src(%dma_wait3A_357 : memref<32x128xf32, #tpu.memory_space<vmem>>) dst(%dma_wait3A_353 : memref<32x128xf32, #tpu.memory_space<hbm>>)
      %dma_wait3A_358 = arith.constant 0 : i32
      %dma_wait3A_359 = arith.constant 4 : i32
      %dma_wait3A_360 = arith.constant 0 : i32
      %dma_wait3A_361 = arith.constant 0 : i32
      %dma_wait3A_362 = tpu.memref_slice %arg7[%dma_wait3A_359, %dma_wait3A_360, %dma_wait3A_361] : memref<8x128x32xf32, #tpu.memory_space<vmem>> -> memref<1x128x32xf32, #tpu.memory_space<vmem>>
      %dma_wait3A_363 = tpu.memref_squeeze %dma_wait3A_362 : memref<1x128x32xf32, #tpu.memory_space<vmem>> -> memref<128x32xf32, #tpu.memory_space<vmem>>
      %dma_wait3A_364 = arith.constant 0 : i32
      %dma_wait3A_365 = tpu.memref_slice %arg6[%dma_wait3A_358, %dma_wait3A_364] : memref<200x128xi32, #tpu.memory_space<vmem>> -> memref<1x128xi32, #tpu.memory_space<vmem>>
      %dma_wait3A_366 = tpu.memref_squeeze %dma_wait3A_365 : memref<1x128xi32, #tpu.memory_space<vmem>> -> memref<128xi32, #tpu.memory_space<vmem>>
      %dma_wait3A_367 = arith.constant 0 : i32
      %dma_wait3A_368 = arith.constant 0 : i32
      %dma_wait3A_369 = tpu.memref_slice %arg3[%dma_wait3A_367, %dma_wait3A_368] : memref<1000000x32xf32, #tpu.memory_space<hbm>> -> memref<1000000x32xf32, #tpu.memory_space<hbm>>
      tpu.wait_indirect_dma semaphore(%arg14 : memref<!tpu.dma_semaphore, #tpu.memory_space<semaphore_mem>>) src(%dma_wait3A_369 : memref<1000000x32xf32, #tpu.memory_space<hbm>>) dst(%dma_wait3A_363 : memref<128x32xf32, #tpu.memory_space<vmem>>)
      %get3A_370 = arith.index_cast %add3A_339 : i32 to index
      %get3A_371 = arith.constant 0 : index
      %get3A_372 = tpu.vector_load %arg9[%get3A_370, %get3A_371] {strides = array<i32>} : memref<200x32xf32, #tpu.memory_space<vmem>>, vector<16xf32>,
      %get3A_373 = arith.index_cast %add3A_339 : i32 to index
      %get3A_374 = arith.constant 16 : index
      %get3A_375 = tpu.vector_load %arg9[%get3A_373, %get3A_374] {strides = array<i32>} : memref<200x32xf32, #tpu.memory_space<vmem>>, vector<16xf32>,
      %parallel_loop3A_376 = arith.constant 0 : i32
      %parallel_loop3A_377 = arith.constant 128 : i32
      %parallel_loop3A_378 = arith.constant 1 : i32
      scf.for %parallel_loop3A_560 = %parallel_loop3A_376 to %parallel_loop3A_377 step %parallel_loop3A_378  : i32 {
        %parallel_loop3A_561 = vector.broadcast %parallel_loop3A_560 : i32 to vector<16xi32>
        %parallel_loop3A_562 = arith.constant 4 : i32
        %parallel_loop3A_563 = arith.index_cast %parallel_loop3A_562 : i32 to index
        %parallel_loop3A_564 = arith.index_cast %parallel_loop3A_560 : i32 to index
        %parallel_loop3A_565 = arith.constant 0 : index
        %parallel_loop3A_566 = tpu.vector_load %arg7[%parallel_loop3A_563, %parallel_loop3A_564, %parallel_loop3A_565] {strides = array<i32>} : memref<8x128x32xf32, #tpu.memory_space<vmem>>, vector<16xf32>,
        %parallel_loop3A_567 = arith.addf %parallel_loop3A_566, %get3A_372 : vector<16xf32>
        %parallel_loop3A_568 = arith.constant 4 : i32
        %parallel_loop3A_569 = arith.index_cast %parallel_loop3A_568 : i32 to index
        %parallel_loop3A_570 = arith.index_cast %parallel_loop3A_560 : i32 to index
        %parallel_loop3A_571 = arith.constant 16 : index
        %parallel_loop3A_572 = tpu.vector_load %arg7[%parallel_loop3A_569, %parallel_loop3A_570, %parallel_loop3A_571] {strides = array<i32>} : memref<8x128x32xf32, #tpu.memory_space<vmem>>, vector<16xf32>,
        %parallel_loop3A_573 = arith.addf %parallel_loop3A_572, %get3A_375 : vector<16xf32>
        %parallel_loop3A_574 = arith.constant 0 : i32
        %parallel_loop3A_575 = arith.constant 0 : i32
        %parallel_loop3A_576 = arith.constant 0 : i32
        %parallel_loop3A_577 = tpu.memref_slice %arg8[%parallel_loop3A_574, %parallel_loop3A_575, %parallel_loop3A_576] : memref<4x32x129xf32, #tpu.memory_space<vmem>> -> memref<1x32x129xf32, #tpu.memory_space<vmem>>
        %parallel_loop3A_578 = tpu.memref_squeeze %parallel_loop3A_577 : memref<1x32x129xf32, #tpu.memory_space<vmem>> -> memref<32x129xf32, #tpu.memory_space<vmem>>
        tpu.vector_store_idx %parallel_loop3A_578[%iota3A, %parallel_loop3A_561], %parallel_loop3A_567 : memref<32x129xf32, #tpu.memory_space<vmem>>[vector<16xi32>, vector<16xi32>], vector<16xf32>,
        %parallel_loop3A_579 = arith.constant 0 : i32
        %parallel_loop3A_580 = arith.constant 0 : i32
        %parallel_loop3A_581 = arith.constant 0 : i32
        %parallel_loop3A_582 = tpu.memref_slice %arg8[%parallel_loop3A_579, %parallel_loop3A_580, %parallel_loop3A_581] : memref<4x32x129xf32, #tpu.memory_space<vmem>> -> memref<1x32x129xf32, #tpu.memory_space<vmem>>
        %parallel_loop3A_583 = tpu.memref_squeeze %parallel_loop3A_582 : memref<1x32x129xf32, #tpu.memory_space<vmem>> -> memref<32x129xf32, #tpu.memory_space<vmem>>
        tpu.vector_store_idx %parallel_loop3A_583[%add3A_76, %parallel_loop3A_561], %parallel_loop3A_573 : memref<32x129xf32, #tpu.memory_space<vmem>>[vector<16xi32>, vector<16xi32>], vector<16xf32>,
      } {sc.loop_unroll_factor = 4 : i64, sc.parallel_access}
      %mul3A_379 = arith.constant 32 : i32
      %mul3A_380 = arith.muli %add3A_339, %mul3A_379 : i32
      %dma_start3A_381 = arith.constant 0 : i32
      %dma_start3A_382 = arith.constant 0 : i32
      %dma_start3A_383 = arith.constant 0 : i32
      %dma_start3A_384 = tpu.memref_slice %arg8[%dma_start3A_381, %dma_start3A_382, %dma_start3A_383] : memref<4x32x129xf32, #tpu.memory_space<vmem>> -> memref<1x32x128xf32, #tpu.memory_space<vmem>>
      %dma_start3A_385 = tpu.memref_squeeze %dma_start3A_384 : memref<1x32x128xf32, #tpu.memory_space<vmem>> -> memref<32x128xf32, #tpu.memory_space<vmem>>
      %dma_start3A_386 = tpu.memref_slice %arg5[%mul3A_380, %mul3A_2] : memref<6400x4096xf32, #tpu.memory_space<hbm>> -> memref<32x128xf32, #tpu.memory_space<hbm>>
      %dma_start3A_387 = tpu.memref_slice %arg5[%mul3A_380, %mul3A_2] : memref<6400x4096xf32, #tpu.memory_space<hbm>> -> memref<32x128xf32, #tpu.memory_space<hbm>>
      %dma_start3A_388 = arith.constant 0 : i32
      %dma_start3A_389 = arith.constant 0 : i32
      %dma_start3A_390 = tpu.memref_slice %arg8[%dma_start3A_381, %dma_start3A_388, %dma_start3A_389] : memref<4x32x129xf32, #tpu.memory_space<vmem>> -> memref<1x32x128xf32, #tpu.memory_space<vmem>>
      %dma_start3A_391 = tpu.memref_squeeze %dma_start3A_390 : memref<1x32x128xf32, #tpu.memory_space<vmem>> -> memref<32x128xf32, #tpu.memory_space<vmem>>
      tpu.enqueue_dma source(%dma_start3A_391 : memref<32x128xf32, #tpu.memory_space<vmem>>) target(%dma_start3A_387 : memref<32x128xf32, #tpu.memory_space<hbm>>) target_semaphore(%arg18 : memref<!tpu.dma_semaphore, #tpu.memory_space<semaphore_mem>>)
      %mul3A_392 = arith.constant 8 : i32
      %mul3A_393 = arith.muli %mul3A_392, %scan3A_133 : i32
      %add3A_394 = arith.constant 5 : i32
      %add3A_395 = arith.addi %mul3A_393, %add3A_394 : i32
      %le3A_396 = arith.constant 23 : i32
      %le3A_397 = arith.cmpi sle, %scan3A_133, %le3A_396 : i32
      %convert_element_type3A_398 = arith.extui %le3A_397 : i1 to i32
      %cond3A_399 = arith.constant 0 : i32
      %cond3A_400 = arith.cmpi ne, %convert_element_type3A_398, %cond3A_399 : i32
      scf.if %cond3A_400 {
        %add3A_560 = arith.constant 6 : i32
        %add3A_561 = arith.addi %add3A_395, %add3A_560 : i32
        %dma_start3A_562 = arith.constant 3 : i32
        %dma_start3A_563 = arith.constant 0 : i32
        %dma_start3A_564 = arith.constant 0 : i32
        %dma_start3A_565 = tpu.memref_slice %arg7[%dma_start3A_562, %dma_start3A_563, %dma_start3A_564] : memref<8x128x32xf32, #tpu.memory_space<vmem>> -> memref<1x128x32xf32, #tpu.memory_space<vmem>>
        %dma_start3A_566 = tpu.memref_squeeze %dma_start3A_565 : memref<1x128x32xf32, #tpu.memory_space<vmem>> -> memref<128x32xf32, #tpu.memory_space<vmem>>
        %dma_start3A_567 = arith.constant 0 : i32
        %dma_start3A_568 = tpu.memref_slice %arg6[%add3A_561, %dma_start3A_567] : memref<200x128xi32, #tpu.memory_space<vmem>> -> memref<1x128xi32, #tpu.memory_space<vmem>>
        %dma_start3A_569 = tpu.memref_squeeze %dma_start3A_568 : memref<1x128xi32, #tpu.memory_space<vmem>> -> memref<128xi32, #tpu.memory_space<vmem>>
        %dma_start3A_570 = arith.constant 0 : i32
        %dma_start3A_571 = arith.constant 0 : i32
        %dma_start3A_572 = tpu.memref_slice %arg3[%dma_start3A_570, %dma_start3A_571] : memref<1000000x32xf32, #tpu.memory_space<hbm>> -> memref<1000000x32xf32, #tpu.memory_space<hbm>>
        tpu.enqueue_indirect_dma source(%dma_start3A_572 : memref<1000000x32xf32, #tpu.memory_space<hbm>>) target(%dma_start3A_566 : memref<128x32xf32, #tpu.memory_space<vmem>>) offsets(%dma_start3A_569 : memref<128xi32, #tpu.memory_space<vmem>>) semaphore(%arg13 : memref<!tpu.dma_semaphore, #tpu.memory_space<semaphore_mem>>)
      } else {
      }
      %dma_wait3A_401 = arith.constant 1 : i32
      %dma_wait3A_402 = arith.constant 0 : i32
      %dma_wait3A_403 = arith.constant 0 : i32
      %dma_wait3A_404 = tpu.memref_slice %arg8[%dma_wait3A_401, %dma_wait3A_402, %dma_wait3A_403] : memref<4x32x129xf32, #tpu.memory_space<vmem>> -> memref<1x32x128xf32, #tpu.memory_space<vmem>>
      %dma_wait3A_405 = tpu.memref_squeeze %dma_wait3A_404 : memref<1x32x128xf32, #tpu.memory_space<vmem>> -> memref<32x128xf32, #tpu.memory_space<vmem>>
      %dma_wait3A_406 = arith.constant 0 : i32
      %dma_wait3A_407 = tpu.memref_slice %arg5[%dma_wait3A_406, %mul3A_2] : memref<6400x4096xf32, #tpu.memory_space<hbm>> -> memref<32x128xf32, #tpu.memory_space<hbm>>
      %dma_wait3A_408 = arith.constant 0 : i32
      %dma_wait3A_409 = tpu.memref_slice %arg5[%dma_wait3A_408, %mul3A_2] : memref<6400x4096xf32, #tpu.memory_space<hbm>> -> memref<32x128xf32, #tpu.memory_space<hbm>>
      %dma_wait3A_410 = arith.constant 0 : i32
      %dma_wait3A_411 = arith.constant 0 : i32
      %dma_wait3A_412 = tpu.memref_slice %arg8[%dma_wait3A_401, %dma_wait3A_410, %dma_wait3A_411] : memref<4x32x129xf32, #tpu.memory_space<vmem>> -> memref<1x32x128xf32, #tpu.memory_space<vmem>>
      %dma_wait3A_413 = tpu.memref_squeeze %dma_wait3A_412 : memref<1x32x128xf32, #tpu.memory_space<vmem>> -> memref<32x128xf32, #tpu.memory_space<vmem>>
      tpu.wait_dma2 semaphore(%arg19 : memref<!tpu.dma_semaphore, #tpu.memory_space<semaphore_mem>>) src(%dma_wait3A_413 : memref<32x128xf32, #tpu.memory_space<vmem>>) dst(%dma_wait3A_409 : memref<32x128xf32, #tpu.memory_space<hbm>>)
      %dma_wait3A_414 = arith.constant 0 : i32
      %dma_wait3A_415 = arith.constant 5 : i32
      %dma_wait3A_416 = arith.constant 0 : i32
      %dma_wait3A_417 = arith.constant 0 : i32
      %dma_wait3A_418 = tpu.memref_slice %arg7[%dma_wait3A_415, %dma_wait3A_416, %dma_wait3A_417] : memref<8x128x32xf32, #tpu.memory_space<vmem>> -> memref<1x128x32xf32, #tpu.memory_space<vmem>>
      %dma_wait3A_419 = tpu.memref_squeeze %dma_wait3A_418 : memref<1x128x32xf32, #tpu.memory_space<vmem>> -> memref<128x32xf32, #tpu.memory_space<vmem>>
      %dma_wait3A_420 = arith.constant 0 : i32
      %dma_wait3A_421 = tpu.memref_slice %arg6[%dma_wait3A_414, %dma_wait3A_420] : memref<200x128xi32, #tpu.memory_space<vmem>> -> memref<1x128xi32, #tpu.memory_space<vmem>>
      %dma_wait3A_422 = tpu.memref_squeeze %dma_wait3A_421 : memref<1x128xi32, #tpu.memory_space<vmem>> -> memref<128xi32, #tpu.memory_space<vmem>>
      %dma_wait3A_423 = arith.constant 0 : i32
      %dma_wait3A_424 = arith.constant 0 : i32
      %dma_wait3A_425 = tpu.memref_slice %arg3[%dma_wait3A_423, %dma_wait3A_424] : memref<1000000x32xf32, #tpu.memory_space<hbm>> -> memref<1000000x32xf32, #tpu.memory_space<hbm>>
      tpu.wait_indirect_dma semaphore(%arg15 : memref<!tpu.dma_semaphore, #tpu.memory_space<semaphore_mem>>) src(%dma_wait3A_425 : memref<1000000x32xf32, #tpu.memory_space<hbm>>) dst(%dma_wait3A_419 : memref<128x32xf32, #tpu.memory_space<vmem>>)
      %get3A_426 = arith.index_cast %add3A_395 : i32 to index
      %get3A_427 = arith.constant 0 : index
      %get3A_428 = tpu.vector_load %arg9[%get3A_426, %get3A_427] {strides = array<i32>} : memref<200x32xf32, #tpu.memory_space<vmem>>, vector<16xf32>,
      %get3A_429 = arith.index_cast %add3A_395 : i32 to index
      %get3A_430 = arith.constant 16 : index
      %get3A_431 = tpu.vector_load %arg9[%get3A_429, %get3A_430] {strides = array<i32>} : memref<200x32xf32, #tpu.memory_space<vmem>>, vector<16xf32>,
      %parallel_loop3A_432 = arith.constant 0 : i32
      %parallel_loop3A_433 = arith.constant 128 : i32
      %parallel_loop3A_434 = arith.constant 1 : i32
      scf.for %parallel_loop3A_560 = %parallel_loop3A_432 to %parallel_loop3A_433 step %parallel_loop3A_434  : i32 {
        %parallel_loop3A_561 = vector.broadcast %parallel_loop3A_560 : i32 to vector<16xi32>
        %parallel_loop3A_562 = arith.constant 5 : i32
        %parallel_loop3A_563 = arith.index_cast %parallel_loop3A_562 : i32 to index
        %parallel_loop3A_564 = arith.index_cast %parallel_loop3A_560 : i32 to index
        %parallel_loop3A_565 = arith.constant 0 : index
        %parallel_loop3A_566 = tpu.vector_load %arg7[%parallel_loop3A_563, %parallel_loop3A_564, %parallel_loop3A_565] {strides = array<i32>} : memref<8x128x32xf32, #tpu.memory_space<vmem>>, vector<16xf32>,
        %parallel_loop3A_567 = arith.addf %parallel_loop3A_566, %get3A_428 : vector<16xf32>
        %parallel_loop3A_568 = arith.constant 5 : i32
        %parallel_loop3A_569 = arith.index_cast %parallel_loop3A_568 : i32 to index
        %parallel_loop3A_570 = arith.index_cast %parallel_loop3A_560 : i32 to index
        %parallel_loop3A_571 = arith.constant 16 : index
        %parallel_loop3A_572 = tpu.vector_load %arg7[%parallel_loop3A_569, %parallel_loop3A_570, %parallel_loop3A_571] {strides = array<i32>} : memref<8x128x32xf32, #tpu.memory_space<vmem>>, vector<16xf32>,
        %parallel_loop3A_573 = arith.addf %parallel_loop3A_572, %get3A_431 : vector<16xf32>
        %parallel_loop3A_574 = arith.constant 1 : i32
        %parallel_loop3A_575 = arith.constant 0 : i32
        %parallel_loop3A_576 = arith.constant 0 : i32
        %parallel_loop3A_577 = tpu.memref_slice %arg8[%parallel_loop3A_574, %parallel_loop3A_575, %parallel_loop3A_576] : memref<4x32x129xf32, #tpu.memory_space<vmem>> -> memref<1x32x129xf32, #tpu.memory_space<vmem>>
        %parallel_loop3A_578 = tpu.memref_squeeze %parallel_loop3A_577 : memref<1x32x129xf32, #tpu.memory_space<vmem>> -> memref<32x129xf32, #tpu.memory_space<vmem>>
        tpu.vector_store_idx %parallel_loop3A_578[%iota3A, %parallel_loop3A_561], %parallel_loop3A_567 : memref<32x129xf32, #tpu.memory_space<vmem>>[vector<16xi32>, vector<16xi32>], vector<16xf32>,
        %parallel_loop3A_579 = arith.constant 1 : i32
        %parallel_loop3A_580 = arith.constant 0 : i32
        %parallel_loop3A_581 = arith.constant 0 : i32
        %parallel_loop3A_582 = tpu.memref_slice %arg8[%parallel_loop3A_579, %parallel_loop3A_580, %parallel_loop3A_581] : memref<4x32x129xf32, #tpu.memory_space<vmem>> -> memref<1x32x129xf32, #tpu.memory_space<vmem>>
        %parallel_loop3A_583 = tpu.memref_squeeze %parallel_loop3A_582 : memref<1x32x129xf32, #tpu.memory_space<vmem>> -> memref<32x129xf32, #tpu.memory_space<vmem>>
        tpu.vector_store_idx %parallel_loop3A_583[%add3A_76, %parallel_loop3A_561], %parallel_loop3A_573 : memref<32x129xf32, #tpu.memory_space<vmem>>[vector<16xi32>, vector<16xi32>], vector<16xf32>,
      } {sc.loop_unroll_factor = 4 : i64, sc.parallel_access}
      %mul3A_435 = arith.constant 32 : i32
      %mul3A_436 = arith.muli %add3A_395, %mul3A_435 : i32
      %dma_start3A_437 = arith.constant 1 : i32
      %dma_start3A_438 = arith.constant 0 : i32
      %dma_start3A_439 = arith.constant 0 : i32
      %dma_start3A_440 = tpu.memref_slice %arg8[%dma_start3A_437, %dma_start3A_438, %dma_start3A_439] : memref<4x32x129xf32, #tpu.memory_space<vmem>> -> memref<1x32x128xf32, #tpu.memory_space<vmem>>
      %dma_start3A_441 = tpu.memref_squeeze %dma_start3A_440 : memref<1x32x128xf32, #tpu.memory_space<vmem>> -> memref<32x128xf32, #tpu.memory_space<vmem>>
      %dma_start3A_442 = tpu.memref_slice %arg5[%mul3A_436, %mul3A_2] : memref<6400x4096xf32, #tpu.memory_space<hbm>> -> memref<32x128xf32, #tpu.memory_space<hbm>>
      %dma_start3A_443 = tpu.memref_slice %arg5[%mul3A_436, %mul3A_2] : memref<6400x4096xf32, #tpu.memory_space<hbm>> -> memref<32x128xf32, #tpu.memory_space<hbm>>
      %dma_start3A_444 = arith.constant 0 : i32
      %dma_start3A_445 = arith.constant 0 : i32
      %dma_start3A_446 = tpu.memref_slice %arg8[%dma_start3A_437, %dma_start3A_444, %dma_start3A_445] : memref<4x32x129xf32, #tpu.memory_space<vmem>> -> memref<1x32x128xf32, #tpu.memory_space<vmem>>
      %dma_start3A_447 = tpu.memref_squeeze %dma_start3A_446 : memref<1x32x128xf32, #tpu.memory_space<vmem>> -> memref<32x128xf32, #tpu.memory_space<vmem>>
      tpu.enqueue_dma source(%dma_start3A_447 : memref<32x128xf32, #tpu.memory_space<vmem>>) target(%dma_start3A_443 : memref<32x128xf32, #tpu.memory_space<hbm>>) target_semaphore(%arg19 : memref<!tpu.dma_semaphore, #tpu.memory_space<semaphore_mem>>)
      %mul3A_448 = arith.constant 8 : i32
      %mul3A_449 = arith.muli %mul3A_448, %scan3A_133 : i32
      %add3A_450 = arith.constant 6 : i32
      %add3A_451 = arith.addi %mul3A_449, %add3A_450 : i32
      %le3A_452 = arith.constant 23 : i32
      %le3A_453 = arith.cmpi sle, %scan3A_133, %le3A_452 : i32
      %convert_element_type3A_454 = arith.extui %le3A_453 : i1 to i32
      %cond3A_455 = arith.constant 0 : i32
      %cond3A_456 = arith.cmpi ne, %convert_element_type3A_454, %cond3A_455 : i32
      scf.if %cond3A_456 {
        %add3A_560 = arith.constant 6 : i32
        %add3A_561 = arith.addi %add3A_451, %add3A_560 : i32
        %dma_start3A_562 = arith.constant 4 : i32
        %dma_start3A_563 = arith.constant 0 : i32
        %dma_start3A_564 = arith.constant 0 : i32
        %dma_start3A_565 = tpu.memref_slice %arg7[%dma_start3A_562, %dma_start3A_563, %dma_start3A_564] : memref<8x128x32xf32, #tpu.memory_space<vmem>> -> memref<1x128x32xf32, #tpu.memory_space<vmem>>
        %dma_start3A_566 = tpu.memref_squeeze %dma_start3A_565 : memref<1x128x32xf32, #tpu.memory_space<vmem>> -> memref<128x32xf32, #tpu.memory_space<vmem>>
        %dma_start3A_567 = arith.constant 0 : i32
        %dma_start3A_568 = tpu.memref_slice %arg6[%add3A_561, %dma_start3A_567] : memref<200x128xi32, #tpu.memory_space<vmem>> -> memref<1x128xi32, #tpu.memory_space<vmem>>
        %dma_start3A_569 = tpu.memref_squeeze %dma_start3A_568 : memref<1x128xi32, #tpu.memory_space<vmem>> -> memref<128xi32, #tpu.memory_space<vmem>>
        %dma_start3A_570 = arith.constant 0 : i32
        %dma_start3A_571 = arith.constant 0 : i32
        %dma_start3A_572 = tpu.memref_slice %arg3[%dma_start3A_570, %dma_start3A_571] : memref<1000000x32xf32, #tpu.memory_space<hbm>> -> memref<1000000x32xf32, #tpu.memory_space<hbm>>
        tpu.enqueue_indirect_dma source(%dma_start3A_572 : memref<1000000x32xf32, #tpu.memory_space<hbm>>) target(%dma_start3A_566 : memref<128x32xf32, #tpu.memory_space<vmem>>) offsets(%dma_start3A_569 : memref<128xi32, #tpu.memory_space<vmem>>) semaphore(%arg14 : memref<!tpu.dma_semaphore, #tpu.memory_space<semaphore_mem>>)
      } else {
      }
      %dma_wait3A_457 = arith.constant 2 : i32
      %dma_wait3A_458 = arith.constant 0 : i32
      %dma_wait3A_459 = arith.constant 0 : i32
      %dma_wait3A_460 = tpu.memref_slice %arg8[%dma_wait3A_457, %dma_wait3A_458, %dma_wait3A_459] : memref<4x32x129xf32, #tpu.memory_space<vmem>> -> memref<1x32x128xf32, #tpu.memory_space<vmem>>
      %dma_wait3A_461 = tpu.memref_squeeze %dma_wait3A_460 : memref<1x32x128xf32, #tpu.memory_space<vmem>> -> memref<32x128xf32, #tpu.memory_space<vmem>>
      %dma_wait3A_462 = arith.constant 0 : i32
      %dma_wait3A_463 = tpu.memref_slice %arg5[%dma_wait3A_462, %mul3A_2] : memref<6400x4096xf32, #tpu.memory_space<hbm>> -> memref<32x128xf32, #tpu.memory_space<hbm>>
      %dma_wait3A_464 = arith.constant 0 : i32
      %dma_wait3A_465 = tpu.memref_slice %arg5[%dma_wait3A_464, %mul3A_2] : memref<6400x4096xf32, #tpu.memory_space<hbm>> -> memref<32x128xf32, #tpu.memory_space<hbm>>
      %dma_wait3A_466 = arith.constant 0 : i32
      %dma_wait3A_467 = arith.constant 0 : i32
      %dma_wait3A_468 = tpu.memref_slice %arg8[%dma_wait3A_457, %dma_wait3A_466, %dma_wait3A_467] : memref<4x32x129xf32, #tpu.memory_space<vmem>> -> memref<1x32x128xf32, #tpu.memory_space<vmem>>
      %dma_wait3A_469 = tpu.memref_squeeze %dma_wait3A_468 : memref<1x32x128xf32, #tpu.memory_space<vmem>> -> memref<32x128xf32, #tpu.memory_space<vmem>>
      tpu.wait_dma2 semaphore(%arg20 : memref<!tpu.dma_semaphore, #tpu.memory_space<semaphore_mem>>) src(%dma_wait3A_469 : memref<32x128xf32, #tpu.memory_space<vmem>>) dst(%dma_wait3A_465 : memref<32x128xf32, #tpu.memory_space<hbm>>)
      %dma_wait3A_470 = arith.constant 0 : i32
      %dma_wait3A_471 = arith.constant 6 : i32
      %dma_wait3A_472 = arith.constant 0 : i32
      %dma_wait3A_473 = arith.constant 0 : i32
      %dma_wait3A_474 = tpu.memref_slice %arg7[%dma_wait3A_471, %dma_wait3A_472, %dma_wait3A_473] : memref<8x128x32xf32, #tpu.memory_space<vmem>> -> memref<1x128x32xf32, #tpu.memory_space<vmem>>
      %dma_wait3A_475 = tpu.memref_squeeze %dma_wait3A_474 : memref<1x128x32xf32, #tpu.memory_space<vmem>> -> memref<128x32xf32, #tpu.memory_space<vmem>>
      %dma_wait3A_476 = arith.constant 0 : i32
      %dma_wait3A_477 = tpu.memref_slice %arg6[%dma_wait3A_470, %dma_wait3A_476] : memref<200x128xi32, #tpu.memory_space<vmem>> -> memref<1x128xi32, #tpu.memory_space<vmem>>
      %dma_wait3A_478 = tpu.memref_squeeze %dma_wait3A_477 : memref<1x128xi32, #tpu.memory_space<vmem>> -> memref<128xi32, #tpu.memory_space<vmem>>
      %dma_wait3A_479 = arith.constant 0 : i32
      %dma_wait3A_480 = arith.constant 0 : i32
      %dma_wait3A_481 = tpu.memref_slice %arg3[%dma_wait3A_479, %dma_wait3A_480] : memref<1000000x32xf32, #tpu.memory_space<hbm>> -> memref<1000000x32xf32, #tpu.memory_space<hbm>>
      tpu.wait_indirect_dma semaphore(%arg16 : memref<!tpu.dma_semaphore, #tpu.memory_space<semaphore_mem>>) src(%dma_wait3A_481 : memref<1000000x32xf32, #tpu.memory_space<hbm>>) dst(%dma_wait3A_475 : memref<128x32xf32, #tpu.memory_space<vmem>>)
      %get3A_482 = arith.index_cast %add3A_451 : i32 to index
      %get3A_483 = arith.constant 0 : index
      %get3A_484 = tpu.vector_load %arg9[%get3A_482, %get3A_483] {strides = array<i32>} : memref<200x32xf32, #tpu.memory_space<vmem>>, vector<16xf32>,
      %get3A_485 = arith.index_cast %add3A_451 : i32 to index
      %get3A_486 = arith.constant 16 : index
      %get3A_487 = tpu.vector_load %arg9[%get3A_485, %get3A_486] {strides = array<i32>} : memref<200x32xf32, #tpu.memory_space<vmem>>, vector<16xf32>,
      %parallel_loop3A_488 = arith.constant 0 : i32
      %parallel_loop3A_489 = arith.constant 128 : i32
      %parallel_loop3A_490 = arith.constant 1 : i32
      scf.for %parallel_loop3A_560 = %parallel_loop3A_488 to %parallel_loop3A_489 step %parallel_loop3A_490  : i32 {
        %parallel_loop3A_561 = vector.broadcast %parallel_loop3A_560 : i32 to vector<16xi32>
        %parallel_loop3A_562 = arith.constant 6 : i32
        %parallel_loop3A_563 = arith.index_cast %parallel_loop3A_562 : i32 to index
        %parallel_loop3A_564 = arith.index_cast %parallel_loop3A_560 : i32 to index
        %parallel_loop3A_565 = arith.constant 0 : index
        %parallel_loop3A_566 = tpu.vector_load %arg7[%parallel_loop3A_563, %parallel_loop3A_564, %parallel_loop3A_565] {strides = array<i32>} : memref<8x128x32xf32, #tpu.memory_space<vmem>>, vector<16xf32>,
        %parallel_loop3A_567 = arith.addf %parallel_loop3A_566, %get3A_484 : vector<16xf32>
        %parallel_loop3A_568 = arith.constant 6 : i32
        %parallel_loop3A_569 = arith.index_cast %parallel_loop3A_568 : i32 to index
        %parallel_loop3A_570 = arith.index_cast %parallel_loop3A_560 : i32 to index
        %parallel_loop3A_571 = arith.constant 16 : index
        %parallel_loop3A_572 = tpu.vector_load %arg7[%parallel_loop3A_569, %parallel_loop3A_570, %parallel_loop3A_571] {strides = array<i32>} : memref<8x128x32xf32, #tpu.memory_space<vmem>>, vector<16xf32>,
        %parallel_loop3A_573 = arith.addf %parallel_loop3A_572, %get3A_487 : vector<16xf32>
        %parallel_loop3A_574 = arith.constant 2 : i32
        %parallel_loop3A_575 = arith.constant 0 : i32
        %parallel_loop3A_576 = arith.constant 0 : i32
        %parallel_loop3A_577 = tpu.memref_slice %arg8[%parallel_loop3A_574, %parallel_loop3A_575, %parallel_loop3A_576] : memref<4x32x129xf32, #tpu.memory_space<vmem>> -> memref<1x32x129xf32, #tpu.memory_space<vmem>>
        %parallel_loop3A_578 = tpu.memref_squeeze %parallel_loop3A_577 : memref<1x32x129xf32, #tpu.memory_space<vmem>> -> memref<32x129xf32, #tpu.memory_space<vmem>>
        tpu.vector_store_idx %parallel_loop3A_578[%iota3A, %parallel_loop3A_561], %parallel_loop3A_567 : memref<32x129xf32, #tpu.memory_space<vmem>>[vector<16xi32>, vector<16xi32>], vector<16xf32>,
        %parallel_loop3A_579 = arith.constant 2 : i32
        %parallel_loop3A_580 = arith.constant 0 : i32
        %parallel_loop3A_581 = arith.constant 0 : i32
        %parallel_loop3A_582 = tpu.memref_slice %arg8[%parallel_loop3A_579, %parallel_loop3A_580, %parallel_loop3A_581] : memref<4x32x129xf32, #tpu.memory_space<vmem>> -> memref<1x32x129xf32, #tpu.memory_space<vmem>>
        %parallel_loop3A_583 = tpu.memref_squeeze %parallel_loop3A_582 : memref<1x32x129xf32, #tpu.memory_space<vmem>> -> memref<32x129xf32, #tpu.memory_space<vmem>>
        tpu.vector_store_idx %parallel_loop3A_583[%add3A_76, %parallel_loop3A_561], %parallel_loop3A_573 : memref<32x129xf32, #tpu.memory_space<vmem>>[vector<16xi32>, vector<16xi32>], vector<16xf32>,
      } {sc.loop_unroll_factor = 4 : i64, sc.parallel_access}
      %mul3A_491 = arith.constant 32 : i32
      %mul3A_492 = arith.muli %add3A_451, %mul3A_491 : i32
      %dma_start3A_493 = arith.constant 2 : i32
      %dma_start3A_494 = arith.constant 0 : i32
      %dma_start3A_495 = arith.constant 0 : i32
      %dma_start3A_496 = tpu.memref_slice %arg8[%dma_start3A_493, %dma_start3A_494, %dma_start3A_495] : memref<4x32x129xf32, #tpu.memory_space<vmem>> -> memref<1x32x128xf32, #tpu.memory_space<vmem>>
      %dma_start3A_497 = tpu.memref_squeeze %dma_start3A_496 : memref<1x32x128xf32, #tpu.memory_space<vmem>> -> memref<32x128xf32, #tpu.memory_space<vmem>>
      %dma_start3A_498 = tpu.memref_slice %arg5[%mul3A_492, %mul3A_2] : memref<6400x4096xf32, #tpu.memory_space<hbm>> -> memref<32x128xf32, #tpu.memory_space<hbm>>
      %dma_start3A_499 = tpu.memref_slice %arg5[%mul3A_492, %mul3A_2] : memref<6400x4096xf32, #tpu.memory_space<hbm>> -> memref<32x128xf32, #tpu.memory_space<hbm>>
      %dma_start3A_500 = arith.constant 0 : i32
      %dma_start3A_501 = arith.constant 0 : i32
      %dma_start3A_502 = tpu.memref_slice %arg8[%dma_start3A_493, %dma_start3A_500, %dma_start3A_501] : memref<4x32x129xf32, #tpu.memory_space<vmem>> -> memref<1x32x128xf32, #tpu.memory_space<vmem>>
      %dma_start3A_503 = tpu.memref_squeeze %dma_start3A_502 : memref<1x32x128xf32, #tpu.memory_space<vmem>> -> memref<32x128xf32, #tpu.memory_space<vmem>>
      tpu.enqueue_dma source(%dma_start3A_503 : memref<32x128xf32, #tpu.memory_space<vmem>>) target(%dma_start3A_499 : memref<32x128xf32, #tpu.memory_space<hbm>>) target_semaphore(%arg20 : memref<!tpu.dma_semaphore, #tpu.memory_space<semaphore_mem>>)
      %mul3A_504 = arith.constant 8 : i32
      %mul3A_505 = arith.muli %mul3A_504, %scan3A_133 : i32
      %add3A_506 = arith.constant 7 : i32
      %add3A_507 = arith.addi %mul3A_505, %add3A_506 : i32
      %le3A_508 = arith.constant 23 : i32
      %le3A_509 = arith.cmpi sle, %scan3A_133, %le3A_508 : i32
      %convert_element_type3A_510 = arith.extui %le3A_509 : i1 to i32
      %cond3A_511 = arith.constant 0 : i32
      %cond3A_512 = arith.cmpi ne, %convert_element_type3A_510, %cond3A_511 : i32
      scf.if %cond3A_512 {
        %add3A_560 = arith.constant 6 : i32
        %add3A_561 = arith.addi %add3A_507, %add3A_560 : i32
        %dma_start3A_562 = arith.constant 5 : i32
        %dma_start3A_563 = arith.constant 0 : i32
        %dma_start3A_564 = arith.constant 0 : i32
        %dma_start3A_565 = tpu.memref_slice %arg7[%dma_start3A_562, %dma_start3A_563, %dma_start3A_564] : memref<8x128x32xf32, #tpu.memory_space<vmem>> -> memref<1x128x32xf32, #tpu.memory_space<vmem>>
        %dma_start3A_566 = tpu.memref_squeeze %dma_start3A_565 : memref<1x128x32xf32, #tpu.memory_space<vmem>> -> memref<128x32xf32, #tpu.memory_space<vmem>>
        %dma_start3A_567 = arith.constant 0 : i32
        %dma_start3A_568 = tpu.memref_slice %arg6[%add3A_561, %dma_start3A_567] : memref<200x128xi32, #tpu.memory_space<vmem>> -> memref<1x128xi32, #tpu.memory_space<vmem>>
        %dma_start3A_569 = tpu.memref_squeeze %dma_start3A_568 : memref<1x128xi32, #tpu.memory_space<vmem>> -> memref<128xi32, #tpu.memory_space<vmem>>
        %dma_start3A_570 = arith.constant 0 : i32
        %dma_start3A_571 = arith.constant 0 : i32
        %dma_start3A_572 = tpu.memref_slice %arg3[%dma_start3A_570, %dma_start3A_571] : memref<1000000x32xf32, #tpu.memory_space<hbm>> -> memref<1000000x32xf32, #tpu.memory_space<hbm>>
        tpu.enqueue_indirect_dma source(%dma_start3A_572 : memref<1000000x32xf32, #tpu.memory_space<hbm>>) target(%dma_start3A_566 : memref<128x32xf32, #tpu.memory_space<vmem>>) offsets(%dma_start3A_569 : memref<128xi32, #tpu.memory_space<vmem>>) semaphore(%arg15 : memref<!tpu.dma_semaphore, #tpu.memory_space<semaphore_mem>>)
      } else {
      }
      %dma_wait3A_513 = arith.constant 3 : i32
      %dma_wait3A_514 = arith.constant 0 : i32
      %dma_wait3A_515 = arith.constant 0 : i32
      %dma_wait3A_516 = tpu.memref_slice %arg8[%dma_wait3A_513, %dma_wait3A_514, %dma_wait3A_515] : memref<4x32x129xf32, #tpu.memory_space<vmem>> -> memref<1x32x128xf32, #tpu.memory_space<vmem>>
      %dma_wait3A_517 = tpu.memref_squeeze %dma_wait3A_516 : memref<1x32x128xf32, #tpu.memory_space<vmem>> -> memref<32x128xf32, #tpu.memory_space<vmem>>
      %dma_wait3A_518 = arith.constant 0 : i32
      %dma_wait3A_519 = tpu.memref_slice %arg5[%dma_wait3A_518, %mul3A_2] : memref<6400x4096xf32, #tpu.memory_space<hbm>> -> memref<32x128xf32, #tpu.memory_space<hbm>>
      %dma_wait3A_520 = arith.constant 0 : i32
      %dma_wait3A_521 = tpu.memref_slice %arg5[%dma_wait3A_520, %mul3A_2] : memref<6400x4096xf32, #tpu.memory_space<hbm>> -> memref<32x128xf32, #tpu.memory_space<hbm>>
      %dma_wait3A_522 = arith.constant 0 : i32
      %dma_wait3A_523 = arith.constant 0 : i32
      %dma_wait3A_524 = tpu.memref_slice %arg8[%dma_wait3A_513, %dma_wait3A_522, %dma_wait3A_523] : memref<4x32x129xf32, #tpu.memory_space<vmem>> -> memref<1x32x128xf32, #tpu.memory_space<vmem>>
      %dma_wait3A_525 = tpu.memref_squeeze %dma_wait3A_524 : memref<1x32x128xf32, #tpu.memory_space<vmem>> -> memref<32x128xf32, #tpu.memory_space<vmem>>
      tpu.wait_dma2 semaphore(%arg21 : memref<!tpu.dma_semaphore, #tpu.memory_space<semaphore_mem>>) src(%dma_wait3A_525 : memref<32x128xf32, #tpu.memory_space<vmem>>) dst(%dma_wait3A_521 : memref<32x128xf32, #tpu.memory_space<hbm>>)
      %dma_wait3A_526 = arith.constant 0 : i32
      %dma_wait3A_527 = arith.constant 7 : i32
      %dma_wait3A_528 = arith.constant 0 : i32
      %dma_wait3A_529 = arith.constant 0 : i32
      %dma_wait3A_530 = tpu.memref_slice %arg7[%dma_wait3A_527, %dma_wait3A_528, %dma_wait3A_529] : memref<8x128x32xf32, #tpu.memory_space<vmem>> -> memref<1x128x32xf32, #tpu.memory_space<vmem>>
      %dma_wait3A_531 = tpu.memref_squeeze %dma_wait3A_530 : memref<1x128x32xf32, #tpu.memory_space<vmem>> -> memref<128x32xf32, #tpu.memory_space<vmem>>
      %dma_wait3A_532 = arith.constant 0 : i32
      %dma_wait3A_533 = tpu.memref_slice %arg6[%dma_wait3A_526, %dma_wait3A_532] : memref<200x128xi32, #tpu.memory_space<vmem>> -> memref<1x128xi32, #tpu.memory_space<vmem>>
      %dma_wait3A_534 = tpu.memref_squeeze %dma_wait3A_533 : memref<1x128xi32, #tpu.memory_space<vmem>> -> memref<128xi32, #tpu.memory_space<vmem>>
      %dma_wait3A_535 = arith.constant 0 : i32
      %dma_wait3A_536 = arith.constant 0 : i32
      %dma_wait3A_537 = tpu.memref_slice %arg3[%dma_wait3A_535, %dma_wait3A_536] : memref<1000000x32xf32, #tpu.memory_space<hbm>> -> memref<1000000x32xf32, #tpu.memory_space<hbm>>
      tpu.wait_indirect_dma semaphore(%arg17 : memref<!tpu.dma_semaphore, #tpu.memory_space<semaphore_mem>>) src(%dma_wait3A_537 : memref<1000000x32xf32, #tpu.memory_space<hbm>>) dst(%dma_wait3A_531 : memref<128x32xf32, #tpu.memory_space<vmem>>)
      %get3A_538 = arith.index_cast %add3A_507 : i32 to index
      %get3A_539 = arith.constant 0 : index
      %get3A_540 = tpu.vector_load %arg9[%get3A_538, %get3A_539] {strides = array<i32>} : memref<200x32xf32, #tpu.memory_space<vmem>>, vector<16xf32>,
      %get3A_541 = arith.index_cast %add3A_507 : i32 to index
      %get3A_542 = arith.constant 16 : index
      %get3A_543 = tpu.vector_load %arg9[%get3A_541, %get3A_542] {strides = array<i32>} : memref<200x32xf32, #tpu.memory_space<vmem>>, vector<16xf32>,
      %parallel_loop3A_544 = arith.constant 0 : i32
      %parallel_loop3A_545 = arith.constant 128 : i32
      %parallel_loop3A_546 = arith.constant 1 : i32
      scf.for %parallel_loop3A_560 = %parallel_loop3A_544 to %parallel_loop3A_545 step %parallel_loop3A_546  : i32 {
        %parallel_loop3A_561 = vector.broadcast %parallel_loop3A_560 : i32 to vector<16xi32>
        %parallel_loop3A_562 = arith.constant 7 : i32
        %parallel_loop3A_563 = arith.index_cast %parallel_loop3A_562 : i32 to index
        %parallel_loop3A_564 = arith.index_cast %parallel_loop3A_560 : i32 to index
        %parallel_loop3A_565 = arith.constant 0 : index
        %parallel_loop3A_566 = tpu.vector_load %arg7[%parallel_loop3A_563, %parallel_loop3A_564, %parallel_loop3A_565] {strides = array<i32>} : memref<8x128x32xf32, #tpu.memory_space<vmem>>, vector<16xf32>,
        %parallel_loop3A_567 = arith.addf %parallel_loop3A_566, %get3A_540 : vector<16xf32>
        %parallel_loop3A_568 = arith.constant 7 : i32
        %parallel_loop3A_569 = arith.index_cast %parallel_loop3A_568 : i32 to index
        %parallel_loop3A_570 = arith.index_cast %parallel_loop3A_560 : i32 to index
        %parallel_loop3A_571 = arith.constant 16 : index
        %parallel_loop3A_572 = tpu.vector_load %arg7[%parallel_loop3A_569, %parallel_loop3A_570, %parallel_loop3A_571] {strides = array<i32>} : memref<8x128x32xf32, #tpu.memory_space<vmem>>, vector<16xf32>,
        %parallel_loop3A_573 = arith.addf %parallel_loop3A_572, %get3A_543 : vector<16xf32>
        %parallel_loop3A_574 = arith.constant 3 : i32
        %parallel_loop3A_575 = arith.constant 0 : i32
        %parallel_loop3A_576 = arith.constant 0 : i32
        %parallel_loop3A_577 = tpu.memref_slice %arg8[%parallel_loop3A_574, %parallel_loop3A_575, %parallel_loop3A_576] : memref<4x32x129xf32, #tpu.memory_space<vmem>> -> memref<1x32x129xf32, #tpu.memory_space<vmem>>
        %parallel_loop3A_578 = tpu.memref_squeeze %parallel_loop3A_577 : memref<1x32x129xf32, #tpu.memory_space<vmem>> -> memref<32x129xf32, #tpu.memory_space<vmem>>
        tpu.vector_store_idx %parallel_loop3A_578[%iota3A, %parallel_loop3A_561], %parallel_loop3A_567 : memref<32x129xf32, #tpu.memory_space<vmem>>[vector<16xi32>, vector<16xi32>], vector<16xf32>,
        %parallel_loop3A_579 = arith.constant 3 : i32
        %parallel_loop3A_580 = arith.constant 0 : i32
        %parallel_loop3A_581 = arith.constant 0 : i32
        %parallel_loop3A_582 = tpu.memref_slice %arg8[%parallel_loop3A_579, %parallel_loop3A_580, %parallel_loop3A_581] : memref<4x32x129xf32, #tpu.memory_space<vmem>> -> memref<1x32x129xf32, #tpu.memory_space<vmem>>
        %parallel_loop3A_583 = tpu.memref_squeeze %parallel_loop3A_582 : memref<1x32x129xf32, #tpu.memory_space<vmem>> -> memref<32x129xf32, #tpu.memory_space<vmem>>
        tpu.vector_store_idx %parallel_loop3A_583[%add3A_76, %parallel_loop3A_561], %parallel_loop3A_573 : memref<32x129xf32, #tpu.memory_space<vmem>>[vector<16xi32>, vector<16xi32>], vector<16xf32>,
      } {sc.loop_unroll_factor = 4 : i64, sc.parallel_access}
      %mul3A_547 = arith.constant 32 : i32
      %mul3A_548 = arith.muli %add3A_507, %mul3A_547 : i32
      %dma_start3A_549 = arith.constant 3 : i32
      %dma_start3A_550 = arith.constant 0 : i32
      %dma_start3A_551 = arith.constant 0 : i32
      %dma_start3A_552 = tpu.memref_slice %arg8[%dma_start3A_549, %dma_start3A_550, %dma_start3A_551] : memref<4x32x129xf32, #tpu.memory_space<vmem>> -> memref<1x32x128xf32, #tpu.memory_space<vmem>>
      %dma_start3A_553 = tpu.memref_squeeze %dma_start3A_552 : memref<1x32x128xf32, #tpu.memory_space<vmem>> -> memref<32x128xf32, #tpu.memory_space<vmem>>
      %dma_start3A_554 = tpu.memref_slice %arg5[%mul3A_548, %mul3A_2] : memref<6400x4096xf32, #tpu.memory_space<hbm>> -> memref<32x128xf32, #tpu.memory_space<hbm>>
      %dma_start3A_555 = tpu.memref_slice %arg5[%mul3A_548, %mul3A_2] : memref<6400x4096xf32, #tpu.memory_space<hbm>> -> memref<32x128xf32, #tpu.memory_space<hbm>>
      %dma_start3A_556 = arith.constant 0 : i32
      %dma_start3A_557 = arith.constant 0 : i32
      %dma_start3A_558 = tpu.memref_slice %arg8[%dma_start3A_549, %dma_start3A_556, %dma_start3A_557] : memref<4x32x129xf32, #tpu.memory_space<vmem>> -> memref<1x32x128xf32, #tpu.memory_space<vmem>>
      %dma_start3A_559 = tpu.memref_squeeze %dma_start3A_558 : memref<1x32x128xf32, #tpu.memory_space<vmem>> -> memref<32x128xf32, #tpu.memory_space<vmem>>
      tpu.enqueue_dma source(%dma_start3A_559 : memref<32x128xf32, #tpu.memory_space<vmem>>) target(%dma_start3A_555 : memref<32x128xf32, #tpu.memory_space<hbm>>) target_semaphore(%arg21 : memref<!tpu.dma_semaphore, #tpu.memory_space<semaphore_mem>>)
    }
    %scan3A_81 = arith.constant 25 : i32
    %dma_wait3A = arith.constant 0 : i32
    %dma_wait3A_82 = arith.constant 0 : i32
    %dma_wait3A_83 = arith.constant 0 : i32
    %dma_wait3A_84 = tpu.memref_slice %arg8[%dma_wait3A, %dma_wait3A_82, %dma_wait3A_83] : memref<4x32x129xf32, #tpu.memory_space<vmem>> -> memref<1x32x128xf32, #tpu.memory_space<vmem>>
    %dma_wait3A_85 = tpu.memref_squeeze %dma_wait3A_84 : memref<1x32x128xf32, #tpu.memory_space<vmem>> -> memref<32x128xf32, #tpu.memory_space<vmem>>
    %dma_wait3A_86 = arith.constant 0 : i32
    %dma_wait3A_87 = tpu.memref_slice %arg5[%dma_wait3A_86, %mul3A_2] : memref<6400x4096xf32, #tpu.memory_space<hbm>> -> memref<32x128xf32, #tpu.memory_space<hbm>>
    %dma_wait3A_88 = arith.constant 0 : i32
    %dma_wait3A_89 = tpu.memref_slice %arg5[%dma_wait3A_88, %mul3A_2] : memref<6400x4096xf32, #tpu.memory_space<hbm>> -> memref<32x128xf32, #tpu.memory_space<hbm>>
    %dma_wait3A_90 = arith.constant 0 : i32
    %dma_wait3A_91 = arith.constant 0 : i32
    %dma_wait3A_92 = tpu.memref_slice %arg8[%dma_wait3A, %dma_wait3A_90, %dma_wait3A_91] : memref<4x32x129xf32, #tpu.memory_space<vmem>> -> memref<1x32x128xf32, #tpu.memory_space<vmem>>
    %dma_wait3A_93 = tpu.memref_squeeze %dma_wait3A_92 : memref<1x32x128xf32, #tpu.memory_space<vmem>> -> memref<32x128xf32, #tpu.memory_space<vmem>>
    tpu.wait_dma2 semaphore(%arg18 : memref<!tpu.dma_semaphore, #tpu.memory_space<semaphore_mem>>) src(%dma_wait3A_93 : memref<32x128xf32, #tpu.memory_space<vmem>>) dst(%dma_wait3A_89 : memref<32x128xf32, #tpu.memory_space<hbm>>)
    %dma_wait3A_94 = arith.constant 1 : i32
    %dma_wait3A_95 = arith.constant 0 : i32
    %dma_wait3A_96 = arith.constant 0 : i32
    %dma_wait3A_97 = tpu.memref_slice %arg8[%dma_wait3A_94, %dma_wait3A_95, %dma_wait3A_96] : memref<4x32x129xf32, #tpu.memory_space<vmem>> -> memref<1x32x128xf32, #tpu.memory_space<vmem>>
    %dma_wait3A_98 = tpu.memref_squeeze %dma_wait3A_97 : memref<1x32x128xf32, #tpu.memory_space<vmem>> -> memref<32x128xf32, #tpu.memory_space<vmem>>
    %dma_wait3A_99 = arith.constant 0 : i32
    %dma_wait3A_100 = tpu.memref_slice %arg5[%dma_wait3A_99, %mul3A_2] : memref<6400x4096xf32, #tpu.memory_space<hbm>> -> memref<32x128xf32, #tpu.memory_space<hbm>>
    %dma_wait3A_101 = arith.constant 0 : i32
    %dma_wait3A_102 = tpu.memref_slice %arg5[%dma_wait3A_101, %mul3A_2] : memref<6400x4096xf32, #tpu.memory_space<hbm>> -> memref<32x128xf32, #tpu.memory_space<hbm>>
    %dma_wait3A_103 = arith.constant 0 : i32
    %dma_wait3A_104 = arith.constant 0 : i32
    %dma_wait3A_105 = tpu.memref_slice %arg8[%dma_wait3A_94, %dma_wait3A_103, %dma_wait3A_104] : memref<4x32x129xf32, #tpu.memory_space<vmem>> -> memref<1x32x128xf32, #tpu.memory_space<vmem>>
    %dma_wait3A_106 = tpu.memref_squeeze %dma_wait3A_105 : memref<1x32x128xf32, #tpu.memory_space<vmem>> -> memref<32x128xf32, #tpu.memory_space<vmem>>
    tpu.wait_dma2 semaphore(%arg19 : memref<!tpu.dma_semaphore, #tpu.memory_space<semaphore_mem>>) src(%dma_wait3A_106 : memref<32x128xf32, #tpu.memory_space<vmem>>) dst(%dma_wait3A_102 : memref<32x128xf32, #tpu.memory_space<hbm>>)
    %dma_wait3A_107 = arith.constant 2 : i32
    %dma_wait3A_108 = arith.constant 0 : i32
    %dma_wait3A_109 = arith.constant 0 : i32
    %dma_wait3A_110 = tpu.memref_slice %arg8[%dma_wait3A_107, %dma_wait3A_108, %dma_wait3A_109] : memref<4x32x129xf32, #tpu.memory_space<vmem>> -> memref<1x32x128xf32, #tpu.memory_space<vmem>>
    %dma_wait3A_111 = tpu.memref_squeeze %dma_wait3A_110 : memref<1x32x128xf32, #tpu.memory_space<vmem>> -> memref<32x128xf32, #tpu.memory_space<vmem>>
    %dma_wait3A_112 = arith.constant 0 : i32
    %dma_wait3A_113 = tpu.memref_slice %arg5[%dma_wait3A_112, %mul3A_2] : memref<6400x4096xf32, #tpu.memory_space<hbm>> -> memref<32x128xf32, #tpu.memory_space<hbm>>
    %dma_wait3A_114 = arith.constant 0 : i32
    %dma_wait3A_115 = tpu.memref_slice %arg5[%dma_wait3A_114, %mul3A_2] : memref<6400x4096xf32, #tpu.memory_space<hbm>> -> memref<32x128xf32, #tpu.memory_space<hbm>>
    %dma_wait3A_116 = arith.constant 0 : i32
    %dma_wait3A_117 = arith.constant 0 : i32
    %dma_wait3A_118 = tpu.memref_slice %arg8[%dma_wait3A_107, %dma_wait3A_116, %dma_wait3A_117] : memref<4x32x129xf32, #tpu.memory_space<vmem>> -> memref<1x32x128xf32, #tpu.memory_space<vmem>>
    %dma_wait3A_119 = tpu.memref_squeeze %dma_wait3A_118 : memref<1x32x128xf32, #tpu.memory_space<vmem>> -> memref<32x128xf32, #tpu.memory_space<vmem>>
    tpu.wait_dma2 semaphore(%arg20 : memref<!tpu.dma_semaphore, #tpu.memory_space<semaphore_mem>>) src(%dma_wait3A_119 : memref<32x128xf32, #tpu.memory_space<vmem>>) dst(%dma_wait3A_115 : memref<32x128xf32, #tpu.memory_space<hbm>>)
    %dma_wait3A_120 = arith.constant 3 : i32
    %dma_wait3A_121 = arith.constant 0 : i32
    %dma_wait3A_122 = arith.constant 0 : i32
    %dma_wait3A_123 = tpu.memref_slice %arg8[%dma_wait3A_120, %dma_wait3A_121, %dma_wait3A_122] : memref<4x32x129xf32, #tpu.memory_space<vmem>> -> memref<1x32x128xf32, #tpu.memory_space<vmem>>
    %dma_wait3A_124 = tpu.memref_squeeze %dma_wait3A_123 : memref<1x32x128xf32, #tpu.memory_space<vmem>> -> memref<32x128xf32, #tpu.memory_space<vmem>>
    %dma_wait3A_125 = arith.constant 0 : i32
    %dma_wait3A_126 = tpu.memref_slice %arg5[%dma_wait3A_125, %mul3A_2] : memref<6400x4096xf32, #tpu.memory_space<hbm>> -> memref<32x128xf32, #tpu.memory_space<hbm>>
    %dma_wait3A_127 = arith.constant 0 : i32
    %dma_wait3A_128 = tpu.memref_slice %arg5[%dma_wait3A_127, %mul3A_2] : memref<6400x4096xf32, #tpu.memory_space<hbm>> -> memref<32x128xf32, #tpu.memory_space<hbm>>
    %dma_wait3A_129 = arith.constant 0 : i32
    %dma_wait3A_130 = arith.constant 0 : i32
    %dma_wait3A_131 = tpu.memref_slice %arg8[%dma_wait3A_120, %dma_wait3A_129, %dma_wait3A_130] : memref<4x32x129xf32, #tpu.memory_space<vmem>> -> memref<1x32x128xf32, #tpu.memory_space<vmem>>
    %dma_wait3A_132 = tpu.memref_squeeze %dma_wait3A_131 : memref<1x32x128xf32, #tpu.memory_space<vmem>> -> memref<32x128xf32, #tpu.memory_space<vmem>>
    tpu.wait_dma2 semaphore(%arg21 : memref<!tpu.dma_semaphore, #tpu.memory_space<semaphore_mem>>) src(%dma_wait3A_132 : memref<32x128xf32, #tpu.memory_space<vmem>>) dst(%dma_wait3A_128 : memref<32x128xf32, #tpu.memory_space<hbm>>)
    return
  }
}

</mosaic_0001>

<sc_bundles>
// kernel: kernel.3.cloned.1.call-start
scs
__scs_entry_jumppad:
0x0: {  	(pc) =	sbr.rel $0x88, $3  }
0x1: {  	(tag) =	ssettag $0x0;
	lr =	simm.s32 $0x1  }
0x2: {  	[smem:$0x3F9E] =	sst lr;
	_ =	strace $0xD0000000  }
0x3: {  	_ = 	snop  }
0x4: {  	_ = 	snop  }
0x5: {  	_ = 	snop  }
0x6: {  	_ = 	snop  }
0x7: {  	_ = 	snop  }
__scs_overlays_trampoline_lowered:
0x8: {  	[smem:$0x3FAD] =	sst s0  }
0x9: {  	[smem:$0x3FAE] =	sst s1  }
0xa: {  	[smem:$0x3FAF] =	sst s2  }
0xb: {  	[smem:$0x3FB0] =	sst s3  }
0xc: {  	[smem:$0x3FB1] =	sst s4  }
0xd: {  	[smem:$0x3FB2] =	sst s5  }
0xe: {  	[smem:$0x3FB3] =	sst s6  }
0xf: {  	[smem:$0x3FB4] =	sst s7  }
0x10: {  	[smem:$0x3FB5] =	sst s8  }
0x11: {  	[smem:$0x3FB6] =	sst s9;
	s0 =	simm.s32 @!p0 $0x0  }
0x12: {  	s1 =	sld [smem:$0x3F9C];
	s0 =	simm.s32 @p0 $0x1  }
0x13: {  	[smem:$0x3FB7] =	sst s0;
	s0 =	simm.s32 @!p1 $0x0  }
0x14: {  	s2 =	sld [smem:$0x3F9B];
	s0 =	simm.s32 @p1 $0x1  }
0x15: {  	[smem:$0x3FB8] =	sst s0;
	s0 =	simm.s32 @!p2 $0x0  }
0x16: {  	s3 =	sld [smem:$0x3FDB];
	s0 =	simm.s32 @p2 $0x1  }
0x17: {  	s4 =	simm.s32 $0x1BF5;
	[smem:$0x3FBA] =	sst s0  }
0x18: {  	s0 =	sld [smem:$0x3F9D];
	_ =	swait.ge [sflag:s4], $0x0  }
0x19: {  	s7 =	sld [smem:$0x3F9E]  }
0x1a: {  	s8 =	sadd.s32 $0xFFFFE003, lr  }
0x1b: {  	s9 =	sadd.s32 $0xFFFFFEF7, lr;
	s5 =	simm.s32 $0xFFFFFFFF;
	p2 =	slt.u32 s8, $0xFFFFF086  }
0x1c: {  	p1 =	slt.u32 s9, $0xF7A;
	s5 =	simm.s32 @!p2 $0x0  }
0x1d: {  	s5 =	simm.s32 @p1 $0x1;
	p0 =	seq.s32 s7, s2  }
0x1e: {  	s7 =	smul.u32 @!p0 $0xF7A, s2;
	p2 =	seq.s32 @!p0 s5, $0x0  }
0x1f: {  	s9 =	smul.u32 $0xF7A, s1;
	s8 =	simm.s32 @!p0 $0x1BF5;
	p2 =	por !p2, p0  }
0x20: {  	[sflag:s8] =	ssyncset.s32 @!p0 $0xFFFFF086;
	s6 =	sadd.s32 @!p0 s3, s7;
	s7 =	simm.s32 @!p0 $0x108  }
0x21: {  	s3 =	sadd.s32 s3, s9;
	s6 =	sadd.s32 @!p0 $0x88, s6;
	s7 =	simm.s32 @p2 $0x1082  }
0x22: {  	[simem:s7], [sflag:s8] =	dma.local @!p0 [hbm:s6], $0xF7A  }
0x23: {  	s9 =	sor.u32 $0xD0000000, s2;
	s6 =	simm.s32 $0x108;
	_ =	swait.ge @!p0 [sflag:s8], $0x0  }
0x24: {  	s3 =	sadd.s32 $0x88, s3;
	s6 =	simm.s32 @!p1 $0x1082;
	[sflag:s4] =	ssyncset.s32 $0xFFFFF086  }
0x25: {  	[simem:s6], [sflag:s4] =	dma.local [hbm:s3], $0xF7A  }
0x26: {  	[smem:$0x3F9E] =	sst s1;
	(tag) =	ssettag s2;
	_ =	strace s9  }
0x27: {  	s1 =	sld [smem:$0x3FAE]  }
0x28: {  	s2 =	sld [smem:$0x3FAF]  }
0x29: {  	s4 =	sld [smem:$0x3FB1]  }
0x2a: {  	p0 =	seq.s32 s5, $0x0;
	s5 =	sld [smem:$0x3FB2]  }
0x2b: {  	s6 =	sld [smem:$0x3FB3]  }
0x2c: {  	s7 =	sld [smem:$0x3FB4]  }
0x2d: {  	s3 =	simm.s32 $0x108;
	s8 =	sld [smem:$0x3FB5]  }
0x2e: {  	s3 =	simm.s32 @!p0 $0x1082;
	s9 =	sld [smem:$0x3FB6]  }
0x2f: {  	lr =	sadd.s32 s0, s3;
	s0 =	sld [smem:$0x3FAD]  }
0x30: {  	s3 =	sld [smem:$0x3FB0]  }
0x31: {  	[smem:$0x3FB9] =	sst s10  }
0x32: {  	s10 =	sld [smem:$0x3FB7];
	_ =	sdelay $0x3  }
0x33: {  	p0 =	seq.s32 s10, $0x1;
	s10 =	sld [smem:$0x3FB9];
	_ =	sdelay $0x3  }
0x34: {  	[smem:$0x3FB9] =	sst s10  }
0x35: {  	s10 =	sld [smem:$0x3FB8];
	_ =	sdelay $0x3  }
0x36: {  	p1 =	seq.s32 s10, $0x1;
	s10 =	sld [smem:$0x3FB9];
	_ =	sdelay $0x3  }
0x37: {  	[smem:$0x3FB9] =	sst s10  }
0x38: {  	s10 =	sld [smem:$0x3FBA]  }
0x39: {  	_ = 	snop;
	(pc) =	sbr.ind lr, $3  }
0x3a: {  	_ = 	snop  }
0x3b: {  	_ = 	snop  }
0x3c: {  	p2 =	seq.s32 s10, $0x1;
	s10 =	sld [smem:$0x3FB9]  }
0x3d: {  	_ =	shalt  }
0x3e: {  	_ =	shalt  }
0x3f: {  	_ =	shalt  }
0x40: {  	_ =	shalt  }
0x41: {  	_ =	shalt  }
0x42: {  	_ =	shalt  }
0x43: {  	_ =	shalt  }
0x44: {  	_ =	shalt  }
0x45: {  	_ =	shalt  }
0x46: {  	_ =	shalt  }
0x47: {  	_ =	shalt  }
0x48: {  	_ =	shalt  }
0x49: {  	_ =	shalt  }
0x4a: {  	_ =	shalt  }
0x4b: {  	_ =	shalt  }
0x4c: {  	_ =	shalt  }
0x4d: {  	_ =	shalt  }
0x4e: {  	_ =	shalt  }
0x4f: {  	_ =	shalt  }
0x50: {  	_ =	shalt  }
0x51: {  	_ =	shalt  }
0x52: {  	_ =	shalt  }
0x53: {  	_ =	shalt  }
0x54: {  	_ =	shalt  }
0x55: {  	_ =	shalt  }
0x56: {  	_ =	shalt  }
0x57: {  	_ =	shalt  }
0x58: {  	_ =	shalt  }
0x59: {  	_ =	shalt  }
0x5a: {  	_ =	shalt  }
0x5b: {  	_ =	shalt  }
0x5c: {  	_ =	shalt  }
0x5d: {  	_ =	shalt  }
0x5e: {  	_ =	shalt  }
0x5f: {  	_ =	shalt  }
0x60: {  	_ =	shalt  }
0x61: {  	_ =	shalt  }
0x62: {  	_ =	shalt  }
0x63: {  	_ =	shalt  }
0x64: {  	_ =	shalt  }
0x65: {  	_ =	shalt  }
0x66: {  	_ =	shalt  }
0x67: {  	_ =	shalt  }
0x68: {  	_ =	shalt  }
0x69: {  	_ =	shalt  }
0x6a: {  	_ =	shalt  }
0x6b: {  	_ =	shalt  }
0x6c: {  	_ =	shalt  }
0x6d: {  	_ =	shalt  }
0x6e: {  	_ =	shalt  }
0x6f: {  	_ =	shalt  }
0x70: {  	_ =	shalt  }
0x71: {  	_ =	shalt  }
0x72: {  	_ =	shalt  }
0x73: {  	_ =	shalt  }
0x74: {  	_ =	shalt  }
0x75: {  	_ =	shalt  }
0x76: {  	_ =	shalt  }
0x77: {  	_ =	shalt  }
0x78: {  	_ =	shalt  }
0x79: {  	_ =	shalt  }
0x7a: {  	_ =	shalt  }
0x7b: {  	_ =	shalt  }
0x7c: {  	_ =	shalt  }
0x7d: {  	_ =	shalt  }
0x7e: {  	_ =	shalt  }
0x7f: {  	_ =	shalt  }
0x80: {  	_ =	shalt  }
0x81: {  	_ =	shalt  }
0x82: {  	_ =	shalt  }
0x83: {  	_ =	shalt  }
0x84: {  	_ =	shalt  }
0x85: {  	_ =	shalt  }
0x86: {  	_ =	shalt  }
0x87: {  	_ =	shalt  }
.Lfunc_end0:
.L_simem_size_0:
called_computation_lowered:
.L_overlay_start_0:
0x88: {  	s2 =	sld [smem:$0x3FD9]  }
0x89: {  	s3 =	sld [smem:$0x3FFE];
	_ =	sdelay $0x1  }
0x8a: {  	s1 =	srdreg.scid  }
0x8b: {  	s0 =	sand.u32 $0x1, s1  }
0x8c: {  	s17 =	sshll.u32 s0, $0xA;
	s2 =	sadd.s32 s3, s2  }
0x8d: {  	s2 =	sadd.s32 s2, s17  }
0x8e: {  	[smem:$0x3FC5] =	sst s2  }
0x8f: {  	_ = 	snop  }
0x90: {  	s2 =	sld [smem:$0x3FD0];
	(tm) =	ssettm $0x1  }
0x91: {  	s18 =	sld [smem:$0x3FFB];
	_ =	sdelay $0x3  }
0x92: {  	_ =	strace s18  }
0x93: {  	s3 =	sld [smem:$0x3FFC];
	_ =	sdelay $0x3  }
0x94: {  	_ =	strace s3  }
0x95: {  	s3 =	sld [smem:$0x3FFD];
	_ =	sdelay $0x3  }
0x96: {  	_ =	strace s3  }
0x97: {  	_ =	strace $0x8FFFFFFF  }
0x98: {  	s19 =	sld [smem:$0x3FDB];
	_ =	sdelay $0x1  }
0x99: {  	s4 =	simm.s32 $_scs_section_size  }
0x9a: {  	s5 =	simm.s32 $_size__tile_overlayer_lowered;
	s6 =	simm.s32 $_tile_overlayer_lowered  }
0x9b: {  	s22 =	simm.s32 $0x1BFF;
	s21 =	sshll.u32 s6, $0x1;
	s3 =	sadd.s32 s4, s19  }
0x9c: {  	s7 =	simm.s32 $0x0;
	s20 =	sshll.u32 s5, $0x1;
	s5 =	sadd.s32 s21, s3  }
0x9d: {  	[timem:s7], [sflag:s22] =	dma.local [hbm:s5], s20  }
0x9e: {  	_ =	swait.ge [sflag:s22], s20  }
0x9f: {  	s4 =	ssub.s32 $0x0, s20;
	[sflag:s22] =	ssyncset.done $0x0  }
0xa0: {  	[sflag:s22] =	ssyncadd.s32 s4;
	_ =	sdelay $0x1  }
0xa1: {  	s23 =	simm.s32 $0x1B8B  }
0xa2: {  	_ =	swait.ge [sflag:s23], $0x1  }
0xa3: {  	[sflag:s23] =	ssyncset.done $0x0  }
0xa4: {  	s25 =	simm.s32 $0x1B8E;
	s24 =	sld [smem:$0x3FFE];
	[sflag:s23] =	ssyncadd.s32 $0xFFFFFFFF  }
0xa5: {  	s26 =	simm.s32 $execute0_lowered;
	[smem:$0x3FD2] =	sst s25  }
0xa6: {  	s5 =	sshll.u32 s26, $0x1;
	_ =	strace $0x80000046;
	[dreg:$0x1] =	wrdreg $0xFFFFFFFF  }
0xa7: {  	s28 =	simm.s32 $_size_execute0_lowered;
	s3 =	sadd.s32 s3, s5;
	[dreg:$0x0] =	wrdreg $0x0  }
0xa8: {  	s5 =	sshll.u32 s28, $0x1;
	[dreg:$0x2] =	wrdreg s3  }
0xa9: {  	[dreg:$0x3] =	wrdreg s5  }
0xaa: {  	[dreg:$0x4] =	wrdreg $0xC0  }
0xab: {  	_ =	task [dreg:s7], $0x5FFFF  }
0xac: {  	[dreg:$0x1] =	wrdreg $0xFFFFFFFF  }
0xad: {  	[dreg:$0x0] =	wrdreg $0x60  }
0xae: {  	[dreg:$0x2] =	wrdreg s2  }
0xaf: {  	[dreg:$0x3] =	wrdreg s24  }
0xb0: {  	[dreg:$0x4] =	wrdreg $0x9  }
0xb1: {  	_ =	task.clear_ibuf [dreg:s7], $0x5FFFF;
	_ =	strace $0x90000046  }
0xb2: {  	s29 =	simm.s32 $0x9;
	_ =	strace $0x80000048  }
0xb3: {  	_ =	swait.ge [sflag:s29], $0x1  }
0xb4: {  	[sflag:s29] =	ssyncadd.s32 $0xFFFFFFFF  }
0xb5: {  	_ =	strace $0x90000048  }
0xb6: {  	_ =	sfence  }
0xb7: {  	s30 =	sld [smem:$0x0];
	_ =	sdelay $0x2  }
0xb8: {  	s31 =	sshll.u32 s1, $0xD;
	s1 =	sshrl.u32 s1, $0x2  }
0xb9: {  	s3 =	sand.u32 $0x4000, s31;
	s1 =	sadd.s32 s1, s30  }
0xba: {  	s0 =	sor.u32 s3, s0;
	s1 =	sshll.u32 s1, $0x11  }
0xbb: {  	s0 =	sor.u32 s1, s0  }
0xbc: {  	s0 =	sadd.s32 $0x8F2B, s0  }
0xbd: {  	[sflag:s0] =	ssyncadd.remote.s32 $0x1  }
0xbe: {  	_ =	sfence.sel $0xFFFF  }
0xbf: {  	[dreg:$0x0] =	wrdreg $0xFFFFFFFF;
	(pc) =	sbr.abs _section_cstart, $3  }
0xc0: {  	[dreg:$0x1] =	wrdreg $0xFFFFFFFF  }
0xc1: {  	_ =	task.clear_ibuf [dreg:s7], $0x2FFFF;
	_ =	strace $0x9FFFFFFF  }
0xc2: {  	(tm) =	ssettm $0x7FFFFFFF  }
0xc3: {  	_ =	shalt  }
tec
execute0_lowered:
.L_overlay_start_1:
0x0: {  	(tag) =	ssettag $0x1  }
0x1: {  	s0 =	rddreg [dreg:$0x0]  }
0x2: {  	s1 =	rddreg [dreg:$0x1]  }
0x3: {  	s2 =	simm.s32 $0x0;
	s3 =	srdreg.scid;
	s4 =	stileid.u32  }
0x4: {  	s11 =	simm.s32 $0x80;
	s28 =	simm.s32 $0x2;
	s29 =	simm.s32 $0xF500  }
0x5: {  	s30 =	simm.s32 $0x3;
	s31 =	simm.s32 $0x10600;
	s9 =	simm.s32 $0x9  }
0x6: {  	s12 =	simm.s32 $0x5;
	s13 =	simm.s32 $0xA;
	s14 =	simm.s32 $0x6  }
0x7: {  	s15 =	simm.s32 $0xB;
	s16 =	simm.s32 $0x7;
	s17 =	simm.s32 $0xC  }
0x8: {  	s18 =	simm.s32 $0x8;
	[smem:$0x7FF] =	sst s2;
	s3 =	sand.u32 $0x1, s3  }
0x9: {  	s4 =	sshll.u32 s4, $0x8;
	s24 =	sadd.s32 $0x800, s1;
	_ =	strace $0x80000047  }
0xa: {  	s5 =	ssub.s32 $0x2, s3;
	s6 =	sshll.u32 s3, $0x7;
	s3 =	sadd.s32 $0xF42C00, s1  }
0xb: {  	[dreg:$0x3] =	wrdreg s24;
	s24 =	simm.s32 $0x1;
	s4 =	sor.u32 s6, s4  }
0xc: {  	v0 =	vlaneseq.u32;
	s7 =	sshrl.u32 s5, $0x1;
	s6 =	sadd.s32 $0xC00, s1;
	s25 =	sshrl.u32 s4, $0x3  }
0xd: {  	v0 =	vmul.u32 $0x88, v0;
	s1 =	simm.s32 $0x11700;
	s5 =	ssub.s32 s5, s7;
	s0 =	sadd.s32 s0, s25  }
0xe: {  	s7 =	simm.s32 $0x0;
	s26 =	smax.u32 s5, $0x1;
	[dreg:$0x4] =	wrdreg s0  }
0xf: {  	v1 =	vadd.s32 $0x880, v0;
	s25 =	simm.s32 $0xE400;
	[dreg:$0x5] =	wrdreg s26;
	s0 =	simm.s32 $0x4  }
.LBB2_1:
0x10: {  	[dreg:$0x6] =	wrdreg s7  }
0x11: {  	s5 =	rddreg [dreg:$0x3];
	s21 =	simm.s32 $0x12800;
	s22 =	simm.s32 $0xD  }
0x12: {  	[tilespmem:s21], [sflag:$0xD] =	stream.linear.gather [hbm4b:s5+s2], $0x1900, $0x38;
	[tilespmem:$0x14100] =	vst v63  }
0x13: {  	_ =	swait.ge [sflag:s22], $0x1900  }
0x14: {  	[sflag:s22] =	ssyncset.done $0x0  }
0x15: {  	s8 =	simm.s32 $0x1000;
	s23 =	rddreg [dreg:$0x4];
	[sflag:s22] =	ssyncadd.s32 $0xFFFFE700  }
0x16: {  	[tilespmem:s2], [sflag:$0xD] =	stream.strided.gather [hbm4b:s23+s11], $0x6400, s8, s11, $0x38;
	[tilespmem:$0x14100] =	vst v63  }
0x17: {  	_ =	swait.ge [sflag:s22], $0x6400  }
0x18: {  	[sflag:s22] =	ssyncset.done $0x0  }
0x19: {  	s26 =	simm.s32 $0x6400;
	[sflag:s22] =	ssyncadd.s32 $0xFFFF9C00  }
0x1a: {  	[tilespmem:s26], [sflag:$0x1] =	stream.indirect.gather [hbm4b:s3+s11], $0x20, s2, s11, $0xb8;
	[tilespmem:$0x14100] =	vst v63  }
0x1b: {  	s7 =	simm.s32 $0x7400  }
0x1c: {  	[tilespmem:s7], [sflag:$0x2] =	stream.indirect.gather [hbm4b:s3+s11], $0x20, s11, s11, $0xb8;
	[tilespmem:$0x14100] =	vst v63  }
0x1d: {  	s10 =	simm.s32 $0x8400;
	s8 =	simm.s32 $0x100  }
0x1e: {  	[tilespmem:s10], [sflag:$0x3] =	stream.indirect.gather [hbm4b:s3+s11], $0x20, s8, s11, $0xb8;
	[tilespmem:$0x14100] =	vst v63  }
0x1f: {  	s19 =	simm.s32 $0x180;
	s20 =	simm.s32 $0x9400  }
0x20: {  	[tilespmem:s20], [sflag:$0x4] =	stream.indirect.gather [hbm4b:s3+s11], $0x20, s19, s11, $0xb8;
	[tilespmem:$0x14100] =	vst v63  }
0x21: {  	s21 =	simm.s32 $0x200;
	s22 =	simm.s32 $0xA400  }
0x22: {  	[tilespmem:s22], [sflag:$0x5] =	stream.indirect.gather [hbm4b:s3+s11], $0x20, s21, s11, $0xb8;
	[tilespmem:$0x14100] =	vst v63  }
0x23: {  	s23 =	simm.s32 $0x280;
	s26 =	simm.s32 $0xB400;
	s20 =	simm.s32 $0x0  }
0x24: {  	[tilespmem:s26], [sflag:$0x6] =	stream.indirect.gather [hbm4b:s3+s11], $0x20, s23, s11, $0xb8;
	[tilespmem:$0x14100] =	vst v63  }
.LBB2_2:
0x25: {  	s7 =	sshll.u32 s20, $0x3  }
0x26: {  	s21 =	sor.u32 $0x6, s7  }
0x27: {  	s5 =	sshll.u32 s21, $0x7  }
0x28: {  	s8 =	simm.s32 $0xC400;
	p0 =	seq.s32 s20, $0x0;
	s5 =	sand.u32 $0x3FFFFF00, s5  }
0x29: {  	[tilespmem:s8], [sflag:$0x7] =	stream.indirect.gather [hbm4b:s3+s11], $0x20, s5, s11, $0xb8;
	[tilespmem:$0x14100] =	vst v63  }
0x2a: {  	s5 =	simm.s32 @!p0 $0x9  }
0x2b: {  	_ =	swait.ge @!p0 [sflag:s5], $0x1000  }
0x2c: {  	[sflag:s5] =	ssyncset.done @!p0 $0x0  }
0x2d: {  	[sflag:s5] =	ssyncadd.s32 @!p0 $0xFFFFF000  }
0x2e: {  	_ =	swait.ge [sflag:s24], $0x1000  }
0x2f: {  	[sflag:s24] =	ssyncset.done $0x0  }
0x30: {  	s5 =	sshll.u32 s20, $0x8;
	[sflag:s24] =	ssyncadd.s32 $0xFFFFF000  }
0x31: {  	v3 =	vld [tilespmem:s5+$0x12800]  }
0x32: {  	s10 =	simm.s32 $0x3;
	s8 =	simm.s32 $0x6440;
	v2 =	vld [tilespmem:s5+$0x12810]  }
0x33: {  	v4 =	vmov s10;
	v6 =	vld [tilespmem:s8+$0x20]  }
0x34: {  	s22 =	simm.s32 $0x0;
	v4 =	vand.u32 $0x7F, v4;
	v8 =	vld [tilespmem:s8+$0x30]  }
0x35: {  	v5 =	vmov s22;
	v11 =	vadd.s32 v0, v4;
	v9 =	vld [tilespmem:s8+$0xFFFFFFC0]  }
0x36: {  	s23 =	simm.s32 $0x1;
	v5 =	vand.u32 $0x7C, v5;
	v18 =	vadd.s32 v1, v4;
	v13 =	vld [tilespmem:s8+$0xFFFFFFD0]  }
0x37: {  	v7 =	vmov s23;
	v10 =	vadd.s32 v0, v5;
	v12 =	vld [tilespmem:s8+$0xFFFFFFE0]  }
0x38: {  	s26 =	simm.s32 $0x2;
	v15 =	vand.u32 $0x7D, v7;
	v4 =	vadd.s32 v1, v5;
	v5 =	vld [tilespmem:s8+$0xFFFFFFF0];
	v16 =	vadd.f32 v6, v3  }
0x39: {  	v17 =	vmov s26;
	v7 =	vld [tilespmem:s8+$0x0];
	v6 =	vadd.s32 v0, v15;
	v19 =	vadd.f32 v8, v2  }
0x3a: {  	s19 =	simm.s32 $0x7;
	v14 =	vadd.f32 v9, v3;
	v8 =	vadd.s32 v1, v15;
	v9 =	vld [tilespmem:s8+$0x10];
	v15 =	vand.u32 $0x7E, v17;
	s8 =	simm.s32 $0x64C0;
	[tilespmem:v11+s25+$0x0] =	vst.idx.msk $0xffff, v16  }
0x3b: {  	s10 =	simm.s32 $0x4;
	v17 =	vmov s19;
	s19 =	simm.s32 $0x8;
	v11 =	vld [tilespmem:s8+$0x20];
	v16 =	vadd.f32 v13, v2;
	v13 =	vadd.s32 v0, v15;
	[tilespmem:v18+s25+$0x0] =	vst.idx.msk $0xffff, v19  }
.LBB2_3:
0x3c: {  	p1 =	slt.u32 s19, $0x7C;
	v18 =	vld [tilespmem:s8+$0x30];
	v17 =	vand.u32 $0x7F, v17;
	[tilespmem:v10+s25+$0x0] =	vst.idx.msk $0xffff, v14;
	v10 =	vadd.f32 v12, v3;
	v14 =	vadd.s32 v1, v15  }
0x3d: {  	v12 =	vmov s10;
	v15 =	vld [tilespmem:s8+$0xFFFFFFC0];
	v19 =	vadd.s32 v0, v17;
	[tilespmem:v4+s25+$0x0] =	vst.idx.msk $0xffff, v16;
	v4 =	vadd.f32 v5, v2  }
0x3e: {  	s22 =	sadd.s32 $0x1, s10;
	v5 =	vand.u32 $0x7C, v12;
	v20 =	vadd.s32 v1, v17;
	v16 =	vld [tilespmem:s8+$0xFFFFFFD0];
	[tilespmem:v6+s25+$0x0] =	vst.idx.msk $0xffff, v10;
	v6 =	vadd.f32 v7, v3  }
.Ltmp0:
0x3f: {  	v10 =	vadd.s32 v0, v5;
	v7 =	vmov s22;
	v12 =	vld [tilespmem:s8+$0xFFFFFFE0];
	[tilespmem:v8+s25+$0x0] =	vst.idx.msk $0xffff, v4;
	v8 =	vadd.f32 v9, v2;
	(pc) =	sbr.rel @p1 .LBB2_3-.Ltmp0, $4  }
0x40: {  	s22 =	sadd.s32 $0x2, s10;
	s10 =	smov.u32 s19;
	v4 =	vadd.s32 v1, v5;
	v9 =	vand.u32 $0x7D, v7;
	v5 =	vld [tilespmem:s8+$0xFFFFFFF0];
	v11 =	vadd.f32 v11, v3;
	[tilespmem:v13+s25+$0x0] =	vst.idx.msk $0xffff, v6  }
0x41: {  	v6 =	vadd.s32 v0, v9;
	v13 =	vmov s22;
	v7 =	vld [tilespmem:s8+$0x0];
	v18 =	vadd.f32 v18, v2;
	[tilespmem:v14+s25+$0x0] =	vst.idx.msk $0xffff, v8  }
0x42: {  	s22 =	sadd.s32 $0x3, s19;
	v8 =	vadd.s32 v1, v9;
	v14 =	vadd.f32 v15, v3;
	v9 =	vld [tilespmem:s8+$0x10];
	v15 =	vand.u32 $0x7E, v13;
	[tilespmem:v19+s25+$0x0] =	vst.idx.msk $0xffff, v11;
	s8 =	sadd.s32 $0x80, s8  }
0x43: {  	s19 =	sadd.s32 $0x4, s19;
	v17 =	vmov s22;
	v11 =	vld [tilespmem:s8+$0x20];
	v16 =	vadd.f32 v16, v2;
	v13 =	vadd.s32 v0, v15;
	[tilespmem:v20+s25+$0x0] =	vst.idx.msk $0xffff, v18  }
0x44: {  	_ =	sdelay $0x3  }
0x45: {  	v18 =	vld [tilespmem:s8+$0x30];
	v17 =	vand.u32 $0x7F, v17;
	[tilespmem:v10+s25+$0x0] =	vst.idx.msk $0xffff, v14;
	v41 =	vadd.f32 v12, v3;
	v42 =	vadd.s32 v1, v15  }
0x46: {  	v43 =	vmov s10;
	v44 =	vld [tilespmem:s8+$0xFFFFFFC0];
	v19 =	vadd.s32 v0, v17;
	[tilespmem:v4+s25+$0x0] =	vst.idx.msk $0xffff, v16;
	v45 =	vadd.f32 v5, v2  }
0x47: {  	v46 =	vld [tilespmem:s8+$0xFFFFFFD0];
	s19 =	sadd.s32 $0x1, s10;
	v14 =	vand.u32 $0x7C, v43;
	v47 =	vadd.s32 v1, v17;
	[tilespmem:v6+s25+$0x0] =	vst.idx.msk $0xffff, v41;
	v48 =	vadd.f32 v7, v3  }
0x48: {  	v51 =	vld [tilespmem:s8+$0xFFFFFFE0];
	v50 =	vmov s19;
	v49 =	vadd.s32 v0, v14;
	[tilespmem:v8+s25+$0x0] =	vst.idx.msk $0xffff, v45;
	v52 =	vadd.f32 v9, v2  }
0x49: {  	v54 =	vld [tilespmem:s8+$0xFFFFFFF0];
	s23 =	sadd.s32 $0x2, s10;
	v53 =	vadd.s32 v1, v14;
	v10 =	vand.u32 $0x7D, v50;
	v11 =	vadd.f32 v11, v3;
	[tilespmem:v13+s25+$0x0] =	vst.idx.msk $0xffff, v48  }
0x4a: {  	v57 =	vld [tilespmem:s8+$0x0];
	v56 =	vmov s23;
	v55 =	vadd.s32 v0, v10;
	v18 =	vadd.f32 v18, v2;
	[tilespmem:v42+s25+$0x0] =	vst.idx.msk $0xffff, v52  }
0x4b: {  	v59 =	vld [tilespmem:s8+$0x10];
	v10 =	vadd.s32 v1, v10;
	v13 =	vand.u32 $0x7E, v56;
	v58 =	vadd.f32 v44, v3;
	[tilespmem:v19+s25+$0x0] =	vst.idx.msk $0xffff, v11  }
0x4c: {  	v5 =	vadd.f32 v46, v2;
	v60 =	vadd.s32 v0, v13;
	[tilespmem:v47+s25+$0x0] =	vst.idx.msk $0xffff, v18  }
0x4d: {  	v61 =	vadd.f32 v51, v3;
	v62 =	vadd.s32 v1, v13;
	[tilespmem:v49+s25+$0x0] =	vst.idx.msk $0xffff, v58  }
0x4e: {  	s26 =	sshll.u32 s20, $0x14;
	v63 =	vadd.f32 v54, v2;
	[tilespmem:v53+s25+$0x0] =	vst.idx.msk $0xffff, v5  }
0x4f: {  	s8 =	sor.u32 s4, s26;
	v3 =	vadd.f32 v57, v3;
	[tilespmem:v55+s25+$0x0] =	vst.idx.msk $0xffff, v61  }
0x50: {  	s8 =	sshrl.u32 s8, $0x3;
	v2 =	vadd.f32 v59, v2;
	[tilespmem:v10+s25+$0x0] =	vst.idx.msk $0xffff, v63  }
0x51: {  	s10 =	simm.s32 $0xE400;
	s8 =	sadd.s32 s6, s8;
	[tilespmem:v60+s25+$0x0] =	vst.idx.msk $0xffff, v3  }
0x52: {  	s22 =	simm.s32 $0xE488;
	s19 =	simm.s32 $0x200;
	s23 =	sadd.s32 $0x0, s8;
	[tilespmem:v62+s25+$0x0] =	vst.idx.msk $0xffff, v2  }
.LBB2_5:
0x53: {  	[hbm4b:s23+s2] =	stream.linear.scatter [tilespmem:s10], [sflag:$0x9], $0x80, $0x38;
	[tilespmem:$0x14100] =	vst v63  }
0x54: {  	s23 =	smov.u32 s19;
	s10 =	smov.u32 s22;
	p1 =	sne.s32 s19, $0x3E00  }
.Ltmp1:
0x55: {  	s19 =	sadd.s32 $0x200, s19;
	(pc) =	sbr.rel @p1 .LBB2_5-.Ltmp1, $2  }
0x56: {  	_ =	sdelay $0x2  }
0x57: {  	s22 =	sadd.s32 $0x88, s22;
	s23 =	sadd.s32 s23, s8  }
0x58: {  	[hbm4b:s23+s2] =	stream.linear.scatter [tilespmem:s10], [sflag:$0x9], $0x80, $0x38;
	[tilespmem:$0x14100] =	vst v63  }
0x59: {  	s22 =	sor.u32 $0x7, s7  }
0x5a: {  	s7 =	sshll.u32 s22, $0x7  }
0x5b: {  	s8 =	simm.s32 $0xD400;
	s7 =	sand.u32 $0x3FFFFF80, s7  }
0x5c: {  	[tilespmem:s8], [sflag:$0x8] =	stream.indirect.gather [hbm4b:s3+s11], $0x20, s7, s11, $0xb8;
	[tilespmem:$0x14100] =	vst v63  }
0x5d: {  	s7 =	simm.s32 @!p0 $0xA  }
0x5e: {  	_ =	swait.ge @!p0 [sflag:s7], $0x1000  }
0x5f: {  	[sflag:s7] =	ssyncset.done @!p0 $0x0  }
0x60: {  	[sflag:s7] =	ssyncadd.s32 @!p0 $0xFFFFF000  }
0x61: {  	_ =	swait.ge [sflag:s28], $0x1000  }
0x62: {  	[sflag:s28] =	ssyncset.done $0x0  }
0x63: {  	[sflag:s28] =	ssyncadd.s32 $0xFFFFF000  }
0x64: {  	v3 =	vld [tilespmem:s5+$0x12820]  }
0x65: {  	s10 =	simm.s32 $0x3;
	s7 =	simm.s32 $0x7470;
	v2 =	vld [tilespmem:s5+$0x12830]  }
0x66: {  	v4 =	vmov s10;
	v6 =	vld [tilespmem:s7+$0xFFFFFFF0]  }
0x67: {  	s19 =	simm.s32 $0x0;
	v4 =	vand.u32 $0x7F, v4;
	v8 =	vld [tilespmem:s7+$0x0]  }
0x68: {  	v5 =	vmov s19;
	v11 =	vadd.s32 v0, v4;
	v9 =	vld [tilespmem:s7+$0xFFFFFF90]  }
0x69: {  	s23 =	simm.s32 $0x1;
	v5 =	vand.u32 $0x7C, v5;
	v18 =	vadd.s32 v1, v4;
	v13 =	vld [tilespmem:s7+$0xFFFFFFA0]  }
0x6a: {  	v7 =	vmov s23;
	v10 =	vadd.s32 v0, v5;
	v12 =	vld [tilespmem:s7+$0xFFFFFFB0]  }
0x6b: {  	s26 =	simm.s32 $0x2;
	v15 =	vand.u32 $0x7D, v7;
	v4 =	vadd.s32 v1, v5;
	v5 =	vld [tilespmem:s7+$0xFFFFFFC0];
	v16 =	vadd.f32 v6, v3  }
0x6c: {  	v17 =	vmov s26;
	v7 =	vld [tilespmem:s7+$0xFFFFFFD0];
	v6 =	vadd.s32 v0, v15;
	v19 =	vadd.f32 v8, v2  }
0x6d: {  	s19 =	simm.s32 $0x7;
	s8 =	simm.s32 $0x74F0;
	v14 =	vadd.f32 v9, v3;
	v8 =	vadd.s32 v1, v15;
	v9 =	vld [tilespmem:s7+$0xFFFFFFE0];
	v15 =	vand.u32 $0x7E, v17;
	[tilespmem:v11+s29+$0x0] =	vst.idx.msk $0xffff, v16  }
0x6e: {  	s10 =	simm.s32 $0x4;
	s7 =	sor.u32 $0x20, s5;
	v17 =	vmov s19;
	s19 =	simm.s32 $0x8;
	v11 =	vld [tilespmem:s8+$0xFFFFFFF0];
	v16 =	vadd.f32 v13, v2;
	v13 =	vadd.s32 v0, v15;
	[tilespmem:v18+s29+$0x0] =	vst.idx.msk $0xffff, v19  }
.LBB2_7:
0x6f: {  	p0 =	slt.u32 s19, $0x7C;
	v18 =	vld [tilespmem:s8+$0x0];
	v17 =	vand.u32 $0x7F, v17;
	[tilespmem:v10+s29+$0x0] =	vst.idx.msk $0xffff, v14;
	v10 =	vadd.f32 v12, v3;
	v14 =	vadd.s32 v1, v15  }
0x70: {  	v12 =	vmov s10;
	v15 =	vld [tilespmem:s8+$0xFFFFFF90];
	v19 =	vadd.s32 v0, v17;
	[tilespmem:v4+s29+$0x0] =	vst.idx.msk $0xffff, v16;
	v4 =	vadd.f32 v5, v2  }
0x71: {  	s23 =	sadd.s32 $0x1, s10;
	v5 =	vand.u32 $0x7C, v12;
	v20 =	vadd.s32 v1, v17;
	v16 =	vld [tilespmem:s8+$0xFFFFFFA0];
	[tilespmem:v6+s29+$0x0] =	vst.idx.msk $0xffff, v10;
	v6 =	vadd.f32 v7, v3  }
.Ltmp2:
0x72: {  	v10 =	vadd.s32 v0, v5;
	v7 =	vmov s23;
	v12 =	vld [tilespmem:s8+$0xFFFFFFB0];
	[tilespmem:v8+s29+$0x0] =	vst.idx.msk $0xffff, v4;
	v8 =	vadd.f32 v9, v2;
	(pc) =	sbr.rel @p0 .LBB2_7-.Ltmp2, $4  }
0x73: {  	s23 =	sadd.s32 $0x2, s10;
	s10 =	smov.u32 s19;
	v4 =	vadd.s32 v1, v5;
	v9 =	vand.u32 $0x7D, v7;
	v5 =	vld [tilespmem:s8+$0xFFFFFFC0];
	v11 =	vadd.f32 v11, v3;
	[tilespmem:v13+s29+$0x0] =	vst.idx.msk $0xffff, v6  }
0x74: {  	v6 =	vadd.s32 v0, v9;
	v13 =	vmov s23;
	v7 =	vld [tilespmem:s8+$0xFFFFFFD0];
	v18 =	vadd.f32 v18, v2;
	[tilespmem:v14+s29+$0x0] =	vst.idx.msk $0xffff, v8  }
0x75: {  	s23 =	sadd.s32 $0x3, s19;
	v8 =	vadd.s32 v1, v9;
	v14 =	vadd.f32 v15, v3;
	v9 =	vld [tilespmem:s8+$0xFFFFFFE0];
	v15 =	vand.u32 $0x7E, v13;
	[tilespmem:v19+s29+$0x0] =	vst.idx.msk $0xffff, v11;
	s8 =	sadd.s32 $0x80, s8  }
0x76: {  	s19 =	sadd.s32 $0x4, s19;
	v17 =	vmov s23;
	v11 =	vld [tilespmem:s8+$0xFFFFFFF0];
	v16 =	vadd.f32 v16, v2;
	v13 =	vadd.s32 v0, v15;
	[tilespmem:v20+s29+$0x0] =	vst.idx.msk $0xffff, v18  }
0x77: {  	_ =	sdelay $0x3  }
0x78: {  	v18 =	vld [tilespmem:s8+$0x0];
	v17 =	vand.u32 $0x7F, v17;
	[tilespmem:v10+s29+$0x0] =	vst.idx.msk $0xffff, v14;
	v41 =	vadd.f32 v12, v3;
	v42 =	vadd.s32 v1, v15  }
0x79: {  	v43 =	vmov s10;
	v44 =	vld [tilespmem:s8+$0xFFFFFF90];
	v19 =	vadd.s32 v0, v17;
	[tilespmem:v4+s29+$0x0] =	vst.idx.msk $0xffff, v16;
	v45 =	vadd.f32 v5, v2  }
0x7a: {  	v46 =	vld [tilespmem:s8+$0xFFFFFFA0];
	s19 =	sadd.s32 $0x1, s10;
	v14 =	vand.u32 $0x7C, v43;
	v47 =	vadd.s32 v1, v17;
	[tilespmem:v6+s29+$0x0] =	vst.idx.msk $0xffff, v41;
	v48 =	vadd.f32 v7, v3  }
0x7b: {  	v51 =	vld [tilespmem:s8+$0xFFFFFFB0];
	v50 =	vmov s19;
	v49 =	vadd.s32 v0, v14;
	[tilespmem:v8+s29+$0x0] =	vst.idx.msk $0xffff, v45;
	v52 =	vadd.f32 v9, v2  }
0x7c: {  	v54 =	vld [tilespmem:s8+$0xFFFFFFC0];
	s26 =	sadd.s32 $0x2, s10;
	v53 =	vadd.s32 v1, v14;
	v10 =	vand.u32 $0x7D, v50;
	v11 =	vadd.f32 v11, v3;
	[tilespmem:v13+s29+$0x0] =	vst.idx.msk $0xffff, v48  }
0x7d: {  	v57 =	vld [tilespmem:s8+$0xFFFFFFD0];
	v56 =	vmov s26;
	v55 =	vadd.s32 v0, v10;
	v18 =	vadd.f32 v18, v2;
	[tilespmem:v42+s29+$0x0] =	vst.idx.msk $0xffff, v52  }
0x7e: {  	v59 =	vld [tilespmem:s8+$0xFFFFFFE0];
	v10 =	vadd.s32 v1, v10;
	v13 =	vand.u32 $0x7E, v56;
	v58 =	vadd.f32 v44, v3;
	[tilespmem:v19+s29+$0x0] =	vst.idx.msk $0xffff, v11  }
0x7f: {  	v5 =	vadd.f32 v46, v2;
	v60 =	vadd.s32 v0, v13;
	[tilespmem:v47+s29+$0x0] =	vst.idx.msk $0xffff, v18  }
0x80: {  	v61 =	vadd.f32 v51, v3;
	v62 =	vadd.s32 v1, v13;
	[tilespmem:v49+s29+$0x0] =	vst.idx.msk $0xffff, v58  }
0x81: {  	s7 =	sshll.u32 s7, $0xC;
	v63 =	vadd.f32 v54, v2;
	[tilespmem:v53+s29+$0x0] =	vst.idx.msk $0xffff, v5  }
0x82: {  	s7 =	sor.u32 s4, s7;
	v3 =	vadd.f32 v57, v3;
	[tilespmem:v55+s29+$0x0] =	vst.idx.msk $0xffff, v61  }
0x83: {  	s7 =	sshrl.u32 s7, $0x3;
	v2 =	vadd.f32 v59, v2;
	[tilespmem:v10+s29+$0x0] =	vst.idx.msk $0xffff, v63  }
0x84: {  	s8 =	simm.s32 $0xF500;
	s7 =	sadd.s32 s6, s7;
	[tilespmem:v60+s29+$0x0] =	vst.idx.msk $0xffff, v3  }
0x85: {  	s10 =	simm.s32 $0x200;
	s19 =	simm.s32 $0xF588;
	s23 =	sadd.s32 $0x0, s7;
	[tilespmem:v62+s29+$0x0] =	vst.idx.msk $0xffff, v2  }
.LBB2_9:
0x86: {  	[hbm4b:s23+s2] =	stream.linear.scatter [tilespmem:s8], [sflag:$0xA], $0x80, $0x38;
	[tilespmem:$0x14100] =	vst v63  }
0x87: {  	s23 =	smov.u32 s10;
	s8 =	smov.u32 s19;
	p0 =	sne.s32 s10, $0x3E00  }
.Ltmp3:
0x88: {  	s10 =	sadd.s32 $0x200, s10;
	(pc) =	sbr.rel @p0 .LBB2_9-.Ltmp3, $2  }
0x89: {  	_ =	sdelay $0x2  }
0x8a: {  	s19 =	sadd.s32 $0x88, s19;
	s23 =	sadd.s32 s23, s7  }
0x8b: {  	[hbm4b:s23+s2] =	stream.linear.scatter [tilespmem:s8], [sflag:$0xA], $0x80, $0x38;
	[tilespmem:$0x14100] =	vst v63  }
0x8c: {  	p0 =	seq.s32 s20, $0x18  }
0x8d: {  	s7 =	sshll.u32 @!p0 s20, $0xA  }
0x8e: {  	p1 =	seq.s32 @!p0 s20, $0x0;
	s10 =	simm.s32 @!p0 $0x80;
	s7 =	sand.u32 @!p0 $0x3FFFFC00, s7  }
0x8f: {  	s19 =	simm.s32 @!p0 $0x6400;
	p1 =	por p0, !p1;
	s8 =	sadd.s32 @!p0 $0x400, s7  }
0x90: {  	[tilespmem:s19], [sflag:$0x1] =	stream.indirect.gather @!p0 [hbm4b:s3+s10], $0x20, s8, s10, $0xb8;
	[tilespmem:$0x14100] =	vst v63  }
0x91: {  	_ =	swait.ge @p1 [sflag:s15], $0x1000  }
0x92: {  	[sflag:s15] =	ssyncset.done @p1 $0x0  }
0x93: {  	[sflag:s15] =	ssyncadd.s32 @p1 $0xFFFFF000  }
0x94: {  	_ =	swait.ge [sflag:s30], $0x1000  }
0x95: {  	[sflag:s30] =	ssyncset.done $0x0  }
0x96: {  	[sflag:s30] =	ssyncadd.s32 $0xFFFFF000  }
0x97: {  	v3 =	vld [tilespmem:s5+$0x12840]  }
0x98: {  	s23 =	simm.s32 $0x3;
	s8 =	simm.s32 $0x8470;
	v2 =	vld [tilespmem:s5+$0x12850]  }
0x99: {  	v4 =	vmov s23;
	v6 =	vld [tilespmem:s8+$0xFFFFFFF0]  }
0x9a: {  	s26 =	simm.s32 $0x0;
	v4 =	vand.u32 $0x7F, v4;
	v8 =	vld [tilespmem:s8+$0x0]  }
0x9b: {  	v5 =	vmov s26;
	v11 =	vadd.s32 v0, v4;
	v9 =	vld [tilespmem:s8+$0xFFFFFF90]  }
0x9c: {  	v5 =	vand.u32 $0x7C, v5;
	v18 =	vadd.s32 v1, v4;
	s19 =	simm.s32 $0x1;
	v13 =	vld [tilespmem:s8+$0xFFFFFFA0]  }
0x9d: {  	v10 =	vadd.s32 v0, v5;
	v7 =	vmov s19;
	v12 =	vld [tilespmem:s8+$0xFFFFFFB0]  }
0x9e: {  	s23 =	simm.s32 $0x2;
	v4 =	vadd.s32 v1, v5;
	v15 =	vand.u32 $0x7D, v7;
	v5 =	vld [tilespmem:s8+$0xFFFFFFC0];
	v16 =	vadd.f32 v6, v3  }
0x9f: {  	v17 =	vmov s23;
	v7 =	vld [tilespmem:s8+$0xFFFFFFD0];
	v6 =	vadd.s32 v0, v15;
	v19 =	vadd.f32 v8, v2  }
0xa0: {  	s26 =	simm.s32 $0x7;
	s10 =	simm.s32 $0x84F0;
	v14 =	vadd.f32 v9, v3;
	v8 =	vadd.s32 v1, v15;
	v9 =	vld [tilespmem:s8+$0xFFFFFFE0];
	v15 =	vand.u32 $0x7E, v17;
	[tilespmem:v11+s31+$0x0] =	vst.idx.msk $0xffff, v16  }
0xa1: {  	s23 =	simm.s32 $0x8;
	s19 =	simm.s32 $0x4;
	s8 =	sor.u32 $0x40, s5;
	v17 =	vmov s26;
	v11 =	vld [tilespmem:s10+$0xFFFFFFF0];
	v16 =	vadd.f32 v13, v2;
	v13 =	vadd.s32 v0, v15;
	[tilespmem:v18+s31+$0x0] =	vst.idx.msk $0xffff, v19  }
.LBB2_11:
0xa2: {  	p2 =	slt.u32 s23, $0x7C;
	v18 =	vld [tilespmem:s10+$0x0];
	v17 =	vand.u32 $0x7F, v17;
	[tilespmem:v10+s31+$0x0] =	vst.idx.msk $0xffff, v14;
	v10 =	vadd.f32 v12, v3;
	v14 =	vadd.s32 v1, v15  }
0xa3: {  	v12 =	vmov s19;
	v15 =	vld [tilespmem:s10+$0xFFFFFF90];
	v19 =	vadd.s32 v0, v17;
	[tilespmem:v4+s31+$0x0] =	vst.idx.msk $0xffff, v16;
	v4 =	vadd.f32 v5, v2  }
0xa4: {  	s26 =	sadd.s32 $0x1, s19;
	v5 =	vand.u32 $0x7C, v12;
	v20 =	vadd.s32 v1, v17;
	v16 =	vld [tilespmem:s10+$0xFFFFFFA0];
	[tilespmem:v6+s31+$0x0] =	vst.idx.msk $0xffff, v10;
	v6 =	vadd.f32 v7, v3  }
.Ltmp4:
0xa5: {  	v10 =	vadd.s32 v0, v5;
	v7 =	vmov s26;
	v12 =	vld [tilespmem:s10+$0xFFFFFFB0];
	[tilespmem:v8+s31+$0x0] =	vst.idx.msk $0xffff, v4;
	v8 =	vadd.f32 v9, v2;
	(pc) =	sbr.rel @p2 .LBB2_11-.Ltmp4, $4  }
0xa6: {  	s26 =	sadd.s32 $0x2, s19;
	s19 =	smov.u32 s23;
	v4 =	vadd.s32 v1, v5;
	v9 =	vand.u32 $0x7D, v7;
	v5 =	vld [tilespmem:s10+$0xFFFFFFC0];
	v11 =	vadd.f32 v11, v3;
	[tilespmem:v13+s31+$0x0] =	vst.idx.msk $0xffff, v6  }
0xa7: {  	v6 =	vadd.s32 v0, v9;
	v13 =	vmov s26;
	v7 =	vld [tilespmem:s10+$0xFFFFFFD0];
	v18 =	vadd.f32 v18, v2;
	[tilespmem:v14+s31+$0x0] =	vst.idx.msk $0xffff, v8  }
0xa8: {  	s26 =	sadd.s32 $0x3, s23;
	v8 =	vadd.s32 v1, v9;
	v14 =	vadd.f32 v15, v3;
	v9 =	vld [tilespmem:s10+$0xFFFFFFE0];
	v15 =	vand.u32 $0x7E, v13;
	[tilespmem:v19+s31+$0x0] =	vst.idx.msk $0xffff, v11;
	s10 =	sadd.s32 $0x80, s10  }
0xa9: {  	s23 =	sadd.s32 $0x4, s23;
	v17 =	vmov s26;
	v11 =	vld [tilespmem:s10+$0xFFFFFFF0];
	v16 =	vadd.f32 v16, v2;
	v13 =	vadd.s32 v0, v15;
	[tilespmem:v20+s31+$0x0] =	vst.idx.msk $0xffff, v18  }
0xaa: {  	_ =	sdelay $0x3  }
0xab: {  	v18 =	vld [tilespmem:s10+$0x0];
	v17 =	vand.u32 $0x7F, v17;
	[tilespmem:v10+s31+$0x0] =	vst.idx.msk $0xffff, v14;
	v41 =	vadd.f32 v12, v3;
	v42 =	vadd.s32 v1, v15  }
0xac: {  	v43 =	vmov s19;
	v44 =	vld [tilespmem:s10+$0xFFFFFF90];
	v19 =	vadd.s32 v0, v17;
	[tilespmem:v4+s31+$0x0] =	vst.idx.msk $0xffff, v16;
	v45 =	vadd.f32 v5, v2  }
0xad: {  	v46 =	vld [tilespmem:s10+$0xFFFFFFA0];
	s23 =	sadd.s32 $0x1, s19;
	v14 =	vand.u32 $0x7C, v43;
	v47 =	vadd.s32 v1, v17;
	[tilespmem:v6+s31+$0x0] =	vst.idx.msk $0xffff, v41;
	v48 =	vadd.f32 v7, v3  }
0xae: {  	v51 =	vld [tilespmem:s10+$0xFFFFFFB0];
	v50 =	vmov s23;
	v49 =	vadd.s32 v0, v14;
	[tilespmem:v8+s31+$0x0] =	vst.idx.msk $0xffff, v45;
	v52 =	vadd.f32 v9, v2  }
0xaf: {  	v54 =	vld [tilespmem:s10+$0xFFFFFFC0];
	s26 =	sadd.s32 $0x2, s19;
	v53 =	vadd.s32 v1, v14;
	v10 =	vand.u32 $0x7D, v50;
	v11 =	vadd.f32 v11, v3;
	[tilespmem:v13+s31+$0x0] =	vst.idx.msk $0xffff, v48  }
0xb0: {  	v57 =	vld [tilespmem:s10+$0xFFFFFFD0];
	v56 =	vmov s26;
	v55 =	vadd.s32 v0, v10;
	v18 =	vadd.f32 v18, v2;
	[tilespmem:v42+s31+$0x0] =	vst.idx.msk $0xffff, v52  }
0xb1: {  	v59 =	vld [tilespmem:s10+$0xFFFFFFE0];
	v10 =	vadd.s32 v1, v10;
	v13 =	vand.u32 $0x7E, v56;
	v58 =	vadd.f32 v44, v3;
	[tilespmem:v19+s31+$0x0] =	vst.idx.msk $0xffff, v11  }
0xb2: {  	v5 =	vadd.f32 v46, v2;
	v60 =	vadd.s32 v0, v13;
	[tilespmem:v47+s31+$0x0] =	vst.idx.msk $0xffff, v18  }
0xb3: {  	v61 =	vadd.f32 v51, v3;
	v62 =	vadd.s32 v1, v13;
	[tilespmem:v49+s31+$0x0] =	vst.idx.msk $0xffff, v58  }
0xb4: {  	s8 =	sshll.u32 s8, $0xC;
	v63 =	vadd.f32 v54, v2;
	[tilespmem:v53+s31+$0x0] =	vst.idx.msk $0xffff, v5  }
0xb5: {  	s8 =	sor.u32 s4, s8;
	v3 =	vadd.f32 v57, v3;
	[tilespmem:v55+s31+$0x0] =	vst.idx.msk $0xffff, v61  }
0xb6: {  	s8 =	sshrl.u32 s8, $0x3;
	v2 =	vadd.f32 v59, v2;
	[tilespmem:v10+s31+$0x0] =	vst.idx.msk $0xffff, v63  }
0xb7: {  	s10 =	simm.s32 $0x10600;
	s8 =	sadd.s32 s6, s8;
	[tilespmem:v60+s31+$0x0] =	vst.idx.msk $0xffff, v3  }
0xb8: {  	s19 =	simm.s32 $0x200;
	s23 =	simm.s32 $0x10688;
	s26 =	sadd.s32 $0x0, s8;
	[tilespmem:v62+s31+$0x0] =	vst.idx.msk $0xffff, v2  }
.LBB2_13:
0xb9: {  	[hbm4b:s26+s2] =	stream.linear.scatter [tilespmem:s10], [sflag:$0xB], $0x80, $0x38;
	[tilespmem:$0x14100] =	vst v63  }
0xba: {  	s26 =	smov.u32 s19;
	s10 =	smov.u32 s23;
	p2 =	sne.s32 s19, $0x3E00  }
.Ltmp5:
0xbb: {  	s19 =	sadd.s32 $0x200, s19;
	(pc) =	sbr.rel @p2 .LBB2_13-.Ltmp5, $2  }
0xbc: {  	_ =	sdelay $0x2  }
0xbd: {  	s23 =	sadd.s32 $0x88, s23;
	s26 =	sadd.s32 s26, s8  }
0xbe: {  	[hbm4b:s26+s2] =	stream.linear.scatter [tilespmem:s10], [sflag:$0xB], $0x80, $0x38;
	[tilespmem:$0x14100] =	vst v63  }
0xbf: {  	s8 =	sadd.s32 @!p0 $0x480, s7;
	s10 =	simm.s32 @!p0 $0x80;
	s19 =	simm.s32 @!p0 $0x7400  }
0xc0: {  	[tilespmem:s19], [sflag:$0x2] =	stream.indirect.gather @!p0 [hbm4b:s3+s10], $0x20, s8, s10, $0xb8;
	[tilespmem:$0x14100] =	vst v63  }
0xc1: {  	_ =	swait.ge @p1 [sflag:s17], $0x1000  }
0xc2: {  	[sflag:s17] =	ssyncset.done @p1 $0x0  }
0xc3: {  	[sflag:s17] =	ssyncadd.s32 @p1 $0xFFFFF000  }
0xc4: {  	_ =	swait.ge [sflag:s0], $0x1000  }
0xc5: {  	[sflag:s0] =	ssyncset.done $0x0  }
0xc6: {  	[sflag:s0] =	ssyncadd.s32 $0xFFFFF000  }
0xc7: {  	v3 =	vld [tilespmem:s5+$0x12860]  }
0xc8: {  	s26 =	simm.s32 $0x3;
	s8 =	simm.s32 $0x9470;
	v2 =	vld [tilespmem:s5+$0x12870]  }
0xc9: {  	v4 =	vmov s26;
	v6 =	vld [tilespmem:s8+$0xFFFFFFF0]  }
0xca: {  	s19 =	simm.s32 $0x0;
	v4 =	vand.u32 $0x7F, v4;
	v8 =	vld [tilespmem:s8+$0x0]  }
0xcb: {  	v5 =	vmov s19;
	v11 =	vadd.s32 v0, v4;
	v9 =	vld [tilespmem:s8+$0xFFFFFF90]  }
0xcc: {  	s23 =	simm.s32 $0x1;
	v18 =	vadd.s32 v1, v4;
	v5 =	vand.u32 $0x7C, v5;
	v13 =	vld [tilespmem:s8+$0xFFFFFFA0]  }
0xcd: {  	v7 =	vmov s23;
	v10 =	vadd.s32 v0, v5;
	v12 =	vld [tilespmem:s8+$0xFFFFFFB0]  }
0xce: {  	s26 =	simm.s32 $0x2;
	v15 =	vand.u32 $0x7D, v7;
	v4 =	vadd.s32 v1, v5;
	v5 =	vld [tilespmem:s8+$0xFFFFFFC0];
	v16 =	vadd.f32 v6, v3  }
0xcf: {  	v17 =	vmov s26;
	v7 =	vld [tilespmem:s8+$0xFFFFFFD0];
	v6 =	vadd.s32 v0, v15;
	v19 =	vadd.f32 v8, v2  }
0xd0: {  	s23 =	simm.s32 $0x7;
	s10 =	simm.s32 $0x94F0;
	v14 =	vadd.f32 v9, v3;
	v8 =	vadd.s32 v1, v15;
	v9 =	vld [tilespmem:s8+$0xFFFFFFE0];
	v15 =	vand.u32 $0x7E, v17;
	[tilespmem:v11+s1+$0x0] =	vst.idx.msk $0xffff, v16  }
0xd1: {  	s19 =	simm.s32 $0x4;
	s8 =	sor.u32 $0x60, s5;
	v17 =	vmov s23;
	s23 =	simm.s32 $0x8;
	v11 =	vld [tilespmem:s10+$0xFFFFFFF0];
	v16 =	vadd.f32 v13, v2;
	v13 =	vadd.s32 v0, v15;
	[tilespmem:v18+s1+$0x0] =	vst.idx.msk $0xffff, v19  }
.LBB2_15:
0xd2: {  	p1 =	slt.u32 s23, $0x7C;
	v18 =	vld [tilespmem:s10+$0x0];
	v17 =	vand.u32 $0x7F, v17;
	[tilespmem:v10+s1+$0x0] =	vst.idx.msk $0xffff, v14;
	v10 =	vadd.f32 v12, v3;
	v14 =	vadd.s32 v1, v15  }
0xd3: {  	v12 =	vmov s19;
	v15 =	vld [tilespmem:s10+$0xFFFFFF90];
	v19 =	vadd.s32 v0, v17;
	[tilespmem:v4+s1+$0x0] =	vst.idx.msk $0xffff, v16;
	v4 =	vadd.f32 v5, v2  }
0xd4: {  	s26 =	sadd.s32 $0x1, s19;
	v5 =	vand.u32 $0x7C, v12;
	v20 =	vadd.s32 v1, v17;
	v16 =	vld [tilespmem:s10+$0xFFFFFFA0];
	[tilespmem:v6+s1+$0x0] =	vst.idx.msk $0xffff, v10;
	v6 =	vadd.f32 v7, v3  }
.Ltmp6:
0xd5: {  	v10 =	vadd.s32 v0, v5;
	v7 =	vmov s26;
	v12 =	vld [tilespmem:s10+$0xFFFFFFB0];
	[tilespmem:v8+s1+$0x0] =	vst.idx.msk $0xffff, v4;
	v8 =	vadd.f32 v9, v2;
	(pc) =	sbr.rel @p1 .LBB2_15-.Ltmp6, $4  }
0xd6: {  	s26 =	sadd.s32 $0x2, s19;
	s19 =	smov.u32 s23;
	v4 =	vadd.s32 v1, v5;
	v9 =	vand.u32 $0x7D, v7;
	v5 =	vld [tilespmem:s10+$0xFFFFFFC0];
	v11 =	vadd.f32 v11, v3;
	[tilespmem:v13+s1+$0x0] =	vst.idx.msk $0xffff, v6  }
0xd7: {  	v6 =	vadd.s32 v0, v9;
	v13 =	vmov s26;
	v7 =	vld [tilespmem:s10+$0xFFFFFFD0];
	v18 =	vadd.f32 v18, v2;
	[tilespmem:v14+s1+$0x0] =	vst.idx.msk $0xffff, v8  }
0xd8: {  	s26 =	sadd.s32 $0x3, s23;
	v8 =	vadd.s32 v1, v9;
	v14 =	vadd.f32 v15, v3;
	v9 =	vld [tilespmem:s10+$0xFFFFFFE0];
	v15 =	vand.u32 $0x7E, v13;
	[tilespmem:v19+s1+$0x0] =	vst.idx.msk $0xffff, v11;
	s10 =	sadd.s32 $0x80, s10  }
0xd9: {  	s23 =	sadd.s32 $0x4, s23;
	v17 =	vmov s26;
	v11 =	vld [tilespmem:s10+$0xFFFFFFF0];
	v16 =	vadd.f32 v16, v2;
	v13 =	vadd.s32 v0, v15;
	[tilespmem:v20+s1+$0x0] =	vst.idx.msk $0xffff, v18  }
0xda: {  	_ =	sdelay $0x3  }
0xdb: {  	v18 =	vld [tilespmem:s10+$0x0];
	v17 =	vand.u32 $0x7F, v17;
	[tilespmem:v10+s1+$0x0] =	vst.idx.msk $0xffff, v14;
	v41 =	vadd.f32 v12, v3;
	v42 =	vadd.s32 v1, v15  }
0xdc: {  	v43 =	vmov s19;
	v44 =	vld [tilespmem:s10+$0xFFFFFF90];
	v19 =	vadd.s32 v0, v17;
	[tilespmem:v4+s1+$0x0] =	vst.idx.msk $0xffff, v16;
	v45 =	vadd.f32 v5, v2  }
0xdd: {  	v46 =	vld [tilespmem:s10+$0xFFFFFFA0];
	s23 =	sadd.s32 $0x1, s19;
	v14 =	vand.u32 $0x7C, v43;
	v47 =	vadd.s32 v1, v17;
	[tilespmem:v6+s1+$0x0] =	vst.idx.msk $0xffff, v41;
	v48 =	vadd.f32 v7, v3  }
0xde: {  	v51 =	vld [tilespmem:s10+$0xFFFFFFB0];
	v50 =	vmov s23;
	v49 =	vadd.s32 v0, v14;
	[tilespmem:v8+s1+$0x0] =	vst.idx.msk $0xffff, v45;
	v52 =	vadd.f32 v9, v2  }
0xdf: {  	v54 =	vld [tilespmem:s10+$0xFFFFFFC0];
	s26 =	sadd.s32 $0x2, s19;
	v53 =	vadd.s32 v1, v14;
	v10 =	vand.u32 $0x7D, v50;
	v11 =	vadd.f32 v11, v3;
	[tilespmem:v13+s1+$0x0] =	vst.idx.msk $0xffff, v48  }
0xe0: {  	v57 =	vld [tilespmem:s10+$0xFFFFFFD0];
	v56 =	vmov s26;
	v55 =	vadd.s32 v0, v10;
	v18 =	vadd.f32 v18, v2;
	[tilespmem:v42+s1+$0x0] =	vst.idx.msk $0xffff, v52  }
0xe1: {  	v59 =	vld [tilespmem:s10+$0xFFFFFFE0];
	v10 =	vadd.s32 v1, v10;
	v13 =	vand.u32 $0x7E, v56;
	v58 =	vadd.f32 v44, v3;
	[tilespmem:v19+s1+$0x0] =	vst.idx.msk $0xffff, v11  }
0xe2: {  	v5 =	vadd.f32 v46, v2;
	v60 =	vadd.s32 v0, v13;
	[tilespmem:v47+s1+$0x0] =	vst.idx.msk $0xffff, v18  }
0xe3: {  	v61 =	vadd.f32 v51, v3;
	v62 =	vadd.s32 v1, v13;
	[tilespmem:v49+s1+$0x0] =	vst.idx.msk $0xffff, v58  }
0xe4: {  	s8 =	sshll.u32 s8, $0xC;
	v63 =	vadd.f32 v54, v2;
	[tilespmem:v53+s1+$0x0] =	vst.idx.msk $0xffff, v5  }
0xe5: {  	s8 =	sor.u32 s4, s8;
	v3 =	vadd.f32 v57, v3;
	[tilespmem:v55+s1+$0x0] =	vst.idx.msk $0xffff, v61  }
0xe6: {  	s8 =	sshrl.u32 s8, $0x3;
	v2 =	vadd.f32 v59, v2;
	[tilespmem:v10+s1+$0x0] =	vst.idx.msk $0xffff, v63  }
0xe7: {  	s10 =	simm.s32 $0x11700;
	s8 =	sadd.s32 s6, s8;
	[tilespmem:v60+s1+$0x0] =	vst.idx.msk $0xffff, v3  }
0xe8: {  	s19 =	simm.s32 $0x200;
	s23 =	simm.s32 $0x11788;
	s26 =	sadd.s32 $0x0, s8;
	[tilespmem:v62+s1+$0x0] =	vst.idx.msk $0xffff, v2  }
.LBB2_17:
0xe9: {  	[hbm4b:s26+s2] =	stream.linear.scatter [tilespmem:s10], [sflag:$0xC], $0x80, $0x38;
	[tilespmem:$0x14100] =	vst v63  }
0xea: {  	s26 =	smov.u32 s19;
	s10 =	smov.u32 s23;
	p1 =	sne.s32 s19, $0x3E00  }
.Ltmp7:
0xeb: {  	s19 =	sadd.s32 $0x200, s19;
	(pc) =	sbr.rel @p1 .LBB2_17-.Ltmp7, $2  }
0xec: {  	_ =	sdelay $0x2  }
0xed: {  	s23 =	sadd.s32 $0x88, s23;
	s26 =	sadd.s32 s26, s8  }
0xee: {  	[hbm4b:s26+s2] =	stream.linear.scatter [tilespmem:s10], [sflag:$0xC], $0x80, $0x38;
	[tilespmem:$0x14100] =	vst v63  }
0xef: {  	s8 =	sadd.s32 @!p0 $0x500, s7;
	s10 =	simm.s32 @!p0 $0x80;
	s19 =	simm.s32 @!p0 $0x8400  }
0xf0: {  	[tilespmem:s19], [sflag:$0x3] =	stream.indirect.gather @!p0 [hbm4b:s3+s10], $0x20, s8, s10, $0xb8;
	[tilespmem:$0x14100] =	vst v63  }
0xf1: {  	_ =	swait.ge [sflag:s9], $0x1000  }
0xf2: {  	[sflag:s9] =	ssyncset.done $0x0  }
0xf3: {  	[sflag:s9] =	ssyncadd.s32 $0xFFFFF000  }
0xf4: {  	_ =	swait.ge [sflag:s12], $0x1000  }
0xf5: {  	[sflag:s12] =	ssyncset.done $0x0  }
0xf6: {  	[sflag:s12] =	ssyncadd.s32 $0xFFFFF000  }
0xf7: {  	v3 =	vld [tilespmem:s5+$0x12880]  }
0xf8: {  	s26 =	simm.s32 $0x3;
	s8 =	simm.s32 $0xA470;
	v2 =	vld [tilespmem:s5+$0x12890]  }
0xf9: {  	v4 =	vmov s26;
	v6 =	vld [tilespmem:s8+$0xFFFFFFF0]  }
0xfa: {  	s19 =	simm.s32 $0x0;
	v4 =	vand.u32 $0x7F, v4;
	v8 =	vld [tilespmem:s8+$0x0]  }
0xfb: {  	v5 =	vmov s19;
	v11 =	vadd.s32 v0, v4;
	v9 =	vld [tilespmem:s8+$0xFFFFFF90]  }
0xfc: {  	s23 =	simm.s32 $0x1;
	v18 =	vadd.s32 v1, v4;
	v5 =	vand.u32 $0x7C, v5;
	v13 =	vld [tilespmem:s8+$0xFFFFFFA0]  }
0xfd: {  	v7 =	vmov s23;
	v10 =	vadd.s32 v0, v5;
	v12 =	vld [tilespmem:s8+$0xFFFFFFB0]  }
0xfe: {  	s26 =	simm.s32 $0x2;
	v15 =	vand.u32 $0x7D, v7;
	v4 =	vadd.s32 v1, v5;
	v5 =	vld [tilespmem:s8+$0xFFFFFFC0];
	v16 =	vadd.f32 v6, v3  }
0xff: {  	v17 =	vmov s26;
	v7 =	vld [tilespmem:s8+$0xFFFFFFD0];
	v6 =	vadd.s32 v0, v15;
	v19 =	vadd.f32 v8, v2  }
0x100: {  	s23 =	simm.s32 $0x7;
	s10 =	simm.s32 $0xA4F0;
	v14 =	vadd.f32 v9, v3;
	v8 =	vadd.s32 v1, v15;
	v9 =	vld [tilespmem:s8+$0xFFFFFFE0];
	v15 =	vand.u32 $0x7E, v17;
	[tilespmem:v11+s25+$0x0] =	vst.idx.msk $0xffff, v16  }
0x101: {  	s19 =	simm.s32 $0x4;
	s8 =	sor.u32 $0x80, s5;
	v17 =	vmov s23;
	s23 =	simm.s32 $0x8;
	v11 =	vld [tilespmem:s10+$0xFFFFFFF0];
	v16 =	vadd.f32 v13, v2;
	v13 =	vadd.s32 v0, v15;
	[tilespmem:v18+s25+$0x0] =	vst.idx.msk $0xffff, v19  }
.LBB2_19:
0x102: {  	p1 =	slt.u32 s23, $0x7C;
	v18 =	vld [tilespmem:s10+$0x0];
	v17 =	vand.u32 $0x7F, v17;
	[tilespmem:v10+s25+$0x0] =	vst.idx.msk $0xffff, v14;
	v10 =	vadd.f32 v12, v3;
	v14 =	vadd.s32 v1, v15  }
0x103: {  	v12 =	vmov s19;
	v15 =	vld [tilespmem:s10+$0xFFFFFF90];
	v19 =	vadd.s32 v0, v17;
	[tilespmem:v4+s25+$0x0] =	vst.idx.msk $0xffff, v16;
	v4 =	vadd.f32 v5, v2  }
0x104: {  	s26 =	sadd.s32 $0x1, s19;
	v5 =	vand.u32 $0x7C, v12;
	v20 =	vadd.s32 v1, v17;
	v16 =	vld [tilespmem:s10+$0xFFFFFFA0];
	[tilespmem:v6+s25+$0x0] =	vst.idx.msk $0xffff, v10;
	v6 =	vadd.f32 v7, v3  }
.Ltmp8:
0x105: {  	v10 =	vadd.s32 v0, v5;
	v7 =	vmov s26;
	v12 =	vld [tilespmem:s10+$0xFFFFFFB0];
	[tilespmem:v8+s25+$0x0] =	vst.idx.msk $0xffff, v4;
	v8 =	vadd.f32 v9, v2;
	(pc) =	sbr.rel @p1 .LBB2_19-.Ltmp8, $4  }
0x106: {  	s26 =	sadd.s32 $0x2, s19;
	s19 =	smov.u32 s23;
	v4 =	vadd.s32 v1, v5;
	v9 =	vand.u32 $0x7D, v7;
	v5 =	vld [tilespmem:s10+$0xFFFFFFC0];
	v11 =	vadd.f32 v11, v3;
	[tilespmem:v13+s25+$0x0] =	vst.idx.msk $0xffff, v6  }
0x107: {  	v6 =	vadd.s32 v0, v9;
	v13 =	vmov s26;
	v7 =	vld [tilespmem:s10+$0xFFFFFFD0];
	v18 =	vadd.f32 v18, v2;
	[tilespmem:v14+s25+$0x0] =	vst.idx.msk $0xffff, v8  }
0x108: {  	s26 =	sadd.s32 $0x3, s23;
	v8 =	vadd.s32 v1, v9;
	v14 =	vadd.f32 v15, v3;
	v9 =	vld [tilespmem:s10+$0xFFFFFFE0];
	v15 =	vand.u32 $0x7E, v13;
	[tilespmem:v19+s25+$0x0] =	vst.idx.msk $0xffff, v11;
	s10 =	sadd.s32 $0x80, s10  }
0x109: {  	s23 =	sadd.s32 $0x4, s23;
	v17 =	vmov s26;
	v11 =	vld [tilespmem:s10+$0xFFFFFFF0];
	v16 =	vadd.f32 v16, v2;
	v13 =	vadd.s32 v0, v15;
	[tilespmem:v20+s25+$0x0] =	vst.idx.msk $0xffff, v18  }
0x10a: {  	_ =	sdelay $0x3  }
0x10b: {  	v18 =	vld [tilespmem:s10+$0x0];
	v17 =	vand.u32 $0x7F, v17;
	[tilespmem:v10+s25+$0x0] =	vst.idx.msk $0xffff, v14;
	v41 =	vadd.f32 v12, v3;
	v42 =	vadd.s32 v1, v15  }
0x10c: {  	v43 =	vmov s19;
	v44 =	vld [tilespmem:s10+$0xFFFFFF90];
	v19 =	vadd.s32 v0, v17;
	[tilespmem:v4+s25+$0x0] =	vst.idx.msk $0xffff, v16;
	v45 =	vadd.f32 v5, v2  }
0x10d: {  	v46 =	vld [tilespmem:s10+$0xFFFFFFA0];
	s23 =	sadd.s32 $0x1, s19;
	v14 =	vand.u32 $0x7C, v43;
	v47 =	vadd.s32 v1, v17;
	[tilespmem:v6+s25+$0x0] =	vst.idx.msk $0xffff, v41;
	v48 =	vadd.f32 v7, v3  }
0x10e: {  	v51 =	vld [tilespmem:s10+$0xFFFFFFB0];
	v50 =	vmov s23;
	v49 =	vadd.s32 v0, v14;
	[tilespmem:v8+s25+$0x0] =	vst.idx.msk $0xffff, v45;
	v52 =	vadd.f32 v9, v2  }
0x10f: {  	v54 =	vld [tilespmem:s10+$0xFFFFFFC0];
	s26 =	sadd.s32 $0x2, s19;
	v53 =	vadd.s32 v1, v14;
	v10 =	vand.u32 $0x7D, v50;
	v11 =	vadd.f32 v11, v3;
	[tilespmem:v13+s25+$0x0] =	vst.idx.msk $0xffff, v48  }
0x110: {  	v57 =	vld [tilespmem:s10+$0xFFFFFFD0];
	v56 =	vmov s26;
	v55 =	vadd.s32 v0, v10;
	v18 =	vadd.f32 v18, v2;
	[tilespmem:v42+s25+$0x0] =	vst.idx.msk $0xffff, v52  }
0x111: {  	v59 =	vld [tilespmem:s10+$0xFFFFFFE0];
	v10 =	vadd.s32 v1, v10;
	v13 =	vand.u32 $0x7E, v56;
	v58 =	vadd.f32 v44, v3;
	[tilespmem:v19+s25+$0x0] =	vst.idx.msk $0xffff, v11  }
0x112: {  	v5 =	vadd.f32 v46, v2;
	v60 =	vadd.s32 v0, v13;
	[tilespmem:v47+s25+$0x0] =	vst.idx.msk $0xffff, v18  }
0x113: {  	v61 =	vadd.f32 v51, v3;
	v62 =	vadd.s32 v1, v13;
	[tilespmem:v49+s25+$0x0] =	vst.idx.msk $0xffff, v58  }
0x114: {  	s8 =	sshll.u32 s8, $0xC;
	v63 =	vadd.f32 v54, v2;
	[tilespmem:v53+s25+$0x0] =	vst.idx.msk $0xffff, v5  }
0x115: {  	s8 =	sor.u32 s4, s8;
	v3 =	vadd.f32 v57, v3;
	[tilespmem:v55+s25+$0x0] =	vst.idx.msk $0xffff, v61  }
0x116: {  	s8 =	sshrl.u32 s8, $0x3;
	v2 =	vadd.f32 v59, v2;
	[tilespmem:v10+s25+$0x0] =	vst.idx.msk $0xffff, v63  }
0x117: {  	s10 =	simm.s32 $0xE400;
	s8 =	sadd.s32 s6, s8;
	[tilespmem:v60+s25+$0x0] =	vst.idx.msk $0xffff, v3  }
0x118: {  	s19 =	simm.s32 $0x200;
	s23 =	simm.s32 $0xE488;
	s26 =	sadd.s32 $0x0, s8;
	[tilespmem:v62+s25+$0x0] =	vst.idx.msk $0xffff, v2  }
.LBB2_21:
0x119: {  	[hbm4b:s26+s2] =	stream.linear.scatter [tilespmem:s10], [sflag:$0x9], $0x80, $0x38;
	[tilespmem:$0x14100] =	vst v63  }
0x11a: {  	s26 =	smov.u32 s19;
	s10 =	smov.u32 s23;
	p1 =	sne.s32 s19, $0x3E00  }
.Ltmp9:
0x11b: {  	s19 =	sadd.s32 $0x200, s19;
	(pc) =	sbr.rel @p1 .LBB2_21-.Ltmp9, $2  }
0x11c: {  	_ =	sdelay $0x2  }
0x11d: {  	s23 =	sadd.s32 $0x88, s23;
	s26 =	sadd.s32 s26, s8  }
0x11e: {  	[hbm4b:s26+s2] =	stream.linear.scatter [tilespmem:s10], [sflag:$0x9], $0x80, $0x38;
	[tilespmem:$0x14100] =	vst v63  }
0x11f: {  	s8 =	sadd.s32 @!p0 $0x580, s7;
	s10 =	simm.s32 @!p0 $0x80;
	s19 =	simm.s32 @!p0 $0x9400  }
0x120: {  	[tilespmem:s19], [sflag:$0x4] =	stream.indirect.gather @!p0 [hbm4b:s3+s10], $0x20, s8, s10, $0xb8;
	[tilespmem:$0x14100] =	vst v63  }
0x121: {  	_ =	swait.ge [sflag:s13], $0x1000  }
0x122: {  	[sflag:s13] =	ssyncset.done $0x0  }
0x123: {  	[sflag:s13] =	ssyncadd.s32 $0xFFFFF000  }
0x124: {  	_ =	swait.ge [sflag:s14], $0x1000  }
0x125: {  	[sflag:s14] =	ssyncset.done $0x0  }
0x126: {  	[sflag:s14] =	ssyncadd.s32 $0xFFFFF000  }
0x127: {  	v3 =	vld [tilespmem:s5+$0x128A0]  }
0x128: {  	s23 =	simm.s32 $0x3;
	s8 =	simm.s32 $0xB470;
	v2 =	vld [tilespmem:s5+$0x128B0]  }
0x129: {  	v4 =	vmov s23;
	v6 =	vld [tilespmem:s8+$0xFFFFFFF0]  }
0x12a: {  	s26 =	simm.s32 $0x0;
	v4 =	vand.u32 $0x7F, v4;
	v8 =	vld [tilespmem:s8+$0x0]  }
0x12b: {  	v5 =	vmov s26;
	v11 =	vadd.s32 v0, v4;
	v9 =	vld [tilespmem:s8+$0xFFFFFF90]  }
0x12c: {  	v5 =	vand.u32 $0x7C, v5;
	s19 =	simm.s32 $0x1;
	v18 =	vadd.s32 v1, v4;
	v13 =	vld [tilespmem:s8+$0xFFFFFFA0]  }
0x12d: {  	v10 =	vadd.s32 v0, v5;
	v7 =	vmov s19;
	v12 =	vld [tilespmem:s8+$0xFFFFFFB0]  }
0x12e: {  	s23 =	simm.s32 $0x2;
	v4 =	vadd.s32 v1, v5;
	v15 =	vand.u32 $0x7D, v7;
	v5 =	vld [tilespmem:s8+$0xFFFFFFC0];
	v16 =	vadd.f32 v6, v3  }
0x12f: {  	v17 =	vmov s23;
	v7 =	vld [tilespmem:s8+$0xFFFFFFD0];
	v6 =	vadd.s32 v0, v15;
	v19 =	vadd.f32 v8, v2  }
0x130: {  	s26 =	simm.s32 $0x7;
	v14 =	vadd.f32 v9, v3;
	v8 =	vadd.s32 v1, v15;
	v9 =	vld [tilespmem:s8+$0xFFFFFFE0];
	v15 =	vand.u32 $0x7E, v17;
	s8 =	simm.s32 $0xB4F0;
	[tilespmem:v11+s29+$0x0] =	vst.idx.msk $0xffff, v16  }
0x131: {  	s10 =	simm.s32 $0x4;
	s19 =	simm.s32 $0x8;
	s5 =	sor.u32 $0xA0, s5;
	v17 =	vmov s26;
	v11 =	vld [tilespmem:s8+$0xFFFFFFF0];
	v16 =	vadd.f32 v13, v2;
	v13 =	vadd.s32 v0, v15;
	[tilespmem:v18+s29+$0x0] =	vst.idx.msk $0xffff, v19  }
.LBB2_23:
0x132: {  	p1 =	slt.u32 s19, $0x7C;
	v18 =	vld [tilespmem:s8+$0x0];
	v17 =	vand.u32 $0x7F, v17;
	[tilespmem:v10+s29+$0x0] =	vst.idx.msk $0xffff, v14;
	v10 =	vadd.f32 v12, v3;
	v14 =	vadd.s32 v1, v15  }
0x133: {  	v12 =	vmov s10;
	v15 =	vld [tilespmem:s8+$0xFFFFFF90];
	v19 =	vadd.s32 v0, v17;
	[tilespmem:v4+s29+$0x0] =	vst.idx.msk $0xffff, v16;
	v4 =	vadd.f32 v5, v2  }
0x134: {  	s23 =	sadd.s32 $0x1, s10;
	v5 =	vand.u32 $0x7C, v12;
	v20 =	vadd.s32 v1, v17;
	v16 =	vld [tilespmem:s8+$0xFFFFFFA0];
	[tilespmem:v6+s29+$0x0] =	vst.idx.msk $0xffff, v10;
	v6 =	vadd.f32 v7, v3  }
.Ltmp10:
0x135: {  	v10 =	vadd.s32 v0, v5;
	v7 =	vmov s23;
	v12 =	vld [tilespmem:s8+$0xFFFFFFB0];
	[tilespmem:v8+s29+$0x0] =	vst.idx.msk $0xffff, v4;
	v8 =	vadd.f32 v9, v2;
	(pc) =	sbr.rel @p1 .LBB2_23-.Ltmp10, $4  }
0x136: {  	s23 =	sadd.s32 $0x2, s10;
	s10 =	smov.u32 s19;
	v4 =	vadd.s32 v1, v5;
	v9 =	vand.u32 $0x7D, v7;
	v5 =	vld [tilespmem:s8+$0xFFFFFFC0];
	v11 =	vadd.f32 v11, v3;
	[tilespmem:v13+s29+$0x0] =	vst.idx.msk $0xffff, v6  }
0x137: {  	v6 =	vadd.s32 v0, v9;
	v13 =	vmov s23;
	v7 =	vld [tilespmem:s8+$0xFFFFFFD0];
	v18 =	vadd.f32 v18, v2;
	[tilespmem:v14+s29+$0x0] =	vst.idx.msk $0xffff, v8  }
0x138: {  	s23 =	sadd.s32 $0x3, s19;
	v8 =	vadd.s32 v1, v9;
	v14 =	vadd.f32 v15, v3;
	v9 =	vld [tilespmem:s8+$0xFFFFFFE0];
	v15 =	vand.u32 $0x7E, v13;
	[tilespmem:v19+s29+$0x0] =	vst.idx.msk $0xffff, v11;
	s8 =	sadd.s32 $0x80, s8  }
0x139: {  	s19 =	sadd.s32 $0x4, s19;
	v17 =	vmov s23;
	v11 =	vld [tilespmem:s8+$0xFFFFFFF0];
	v16 =	vadd.f32 v16, v2;
	v13 =	vadd.s32 v0, v15;
	[tilespmem:v20+s29+$0x0] =	vst.idx.msk $0xffff, v18  }
0x13a: {  	_ =	sdelay $0x3  }
0x13b: {  	v18 =	vld [tilespmem:s8+$0x0];
	v17 =	vand.u32 $0x7F, v17;
	[tilespmem:v10+s29+$0x0] =	vst.idx.msk $0xffff, v14;
	v41 =	vadd.f32 v12, v3;
	v42 =	vadd.s32 v1, v15  }
0x13c: {  	v43 =	vmov s10;
	v44 =	vld [tilespmem:s8+$0xFFFFFF90];
	v19 =	vadd.s32 v0, v17;
	[tilespmem:v4+s29+$0x0] =	vst.idx.msk $0xffff, v16;
	v45 =	vadd.f32 v5, v2  }
0x13d: {  	v46 =	vld [tilespmem:s8+$0xFFFFFFA0];
	s19 =	sadd.s32 $0x1, s10;
	v14 =	vand.u32 $0x7C, v43;
	v47 =	vadd.s32 v1, v17;
	[tilespmem:v6+s29+$0x0] =	vst.idx.msk $0xffff, v41;
	v48 =	vadd.f32 v7, v3  }
0x13e: {  	v51 =	vld [tilespmem:s8+$0xFFFFFFB0];
	v50 =	vmov s19;
	v49 =	vadd.s32 v0, v14;
	[tilespmem:v8+s29+$0x0] =	vst.idx.msk $0xffff, v45;
	v52 =	vadd.f32 v9, v2  }
0x13f: {  	v54 =	vld [tilespmem:s8+$0xFFFFFFC0];
	s26 =	sadd.s32 $0x2, s10;
	v53 =	vadd.s32 v1, v14;
	v10 =	vand.u32 $0x7D, v50;
	v11 =	vadd.f32 v11, v3;
	[tilespmem:v13+s29+$0x0] =	vst.idx.msk $0xffff, v48  }
0x140: {  	v57 =	vld [tilespmem:s8+$0xFFFFFFD0];
	v56 =	vmov s26;
	v55 =	vadd.s32 v0, v10;
	v18 =	vadd.f32 v18, v2;
	[tilespmem:v42+s29+$0x0] =	vst.idx.msk $0xffff, v52  }
0x141: {  	v59 =	vld [tilespmem:s8+$0xFFFFFFE0];
	v10 =	vadd.s32 v1, v10;
	v13 =	vand.u32 $0x7E, v56;
	v58 =	vadd.f32 v44, v3;
	[tilespmem:v19+s29+$0x0] =	vst.idx.msk $0xffff, v11  }
0x142: {  	v5 =	vadd.f32 v46, v2;
	v60 =	vadd.s32 v0, v13;
	[tilespmem:v47+s29+$0x0] =	vst.idx.msk $0xffff, v18  }
0x143: {  	v61 =	vadd.f32 v51, v3;
	v62 =	vadd.s32 v1, v13;
	[tilespmem:v49+s29+$0x0] =	vst.idx.msk $0xffff, v58  }
0x144: {  	s5 =	sshll.u32 s5, $0xC;
	v63 =	vadd.f32 v54, v2;
	[tilespmem:v53+s29+$0x0] =	vst.idx.msk $0xffff, v5  }
0x145: {  	s5 =	sor.u32 s4, s5;
	v3 =	vadd.f32 v57, v3;
	[tilespmem:v55+s29+$0x0] =	vst.idx.msk $0xffff, v61  }
0x146: {  	s5 =	sshrl.u32 s5, $0x3;
	v2 =	vadd.f32 v59, v2;
	[tilespmem:v10+s29+$0x0] =	vst.idx.msk $0xffff, v63  }
0x147: {  	s8 =	simm.s32 $0xF500;
	s5 =	sadd.s32 s6, s5;
	[tilespmem:v60+s29+$0x0] =	vst.idx.msk $0xffff, v3  }
0x148: {  	s10 =	simm.s32 $0x200;
	s19 =	simm.s32 $0xF588;
	s23 =	sadd.s32 $0x0, s5;
	[tilespmem:v62+s29+$0x0] =	vst.idx.msk $0xffff, v2  }
.LBB2_25:
0x149: {  	[hbm4b:s23+s2] =	stream.linear.scatter [tilespmem:s8], [sflag:$0xA], $0x80, $0x38;
	[tilespmem:$0x14100] =	vst v63  }
0x14a: {  	s23 =	smov.u32 s10;
	s8 =	smov.u32 s19;
	p1 =	sne.s32 s10, $0x3E00  }
.Ltmp11:
0x14b: {  	s10 =	sadd.s32 $0x200, s10;
	(pc) =	sbr.rel @p1 .LBB2_25-.Ltmp11, $2  }
0x14c: {  	_ =	sdelay $0x2  }
0x14d: {  	s19 =	sadd.s32 $0x88, s19;
	s23 =	sadd.s32 s23, s5  }
0x14e: {  	[hbm4b:s23+s2] =	stream.linear.scatter [tilespmem:s8], [sflag:$0xA], $0x80, $0x38;
	[tilespmem:$0x14100] =	vst v63  }
0x14f: {  	s5 =	sadd.s32 @!p0 $0x600, s7;
	s8 =	simm.s32 @!p0 $0x80;
	s10 =	simm.s32 @!p0 $0xA400  }
0x150: {  	[tilespmem:s10], [sflag:$0x5] =	stream.indirect.gather @!p0 [hbm4b:s3+s8], $0x20, s5, s8, $0xb8;
	[tilespmem:$0x14100] =	vst v63  }
0x151: {  	_ =	swait.ge [sflag:s15], $0x1000  }
0x152: {  	[sflag:s15] =	ssyncset.done $0x0  }
0x153: {  	[sflag:s15] =	ssyncadd.s32 $0xFFFFF000  }
0x154: {  	_ =	swait.ge [sflag:s16], $0x1000  }
0x155: {  	s23 =	sshll.u32 s21, $0x5;
	[sflag:s16] =	ssyncset.done $0x0  }
0x156: {  	s5 =	sand.u32 $0x3FFFFFE0, s23;
	[sflag:s16] =	ssyncadd.s32 $0xFFFFF000  }
0x157: {  	v3 =	vld [tilespmem:s5+$0x12800]  }
0x158: {  	s26 =	simm.s32 $0x3;
	v2 =	vld [tilespmem:s5+$0x12810];
	s5 =	simm.s32 $0xC470  }
0x159: {  	v4 =	vmov s26;
	v6 =	vld [tilespmem:s5+$0xFFFFFFF0]  }
0x15a: {  	s10 =	simm.s32 $0x0;
	v4 =	vand.u32 $0x7F, v4;
	v8 =	vld [tilespmem:s5+$0x0]  }
0x15b: {  	v5 =	vmov s10;
	v11 =	vadd.s32 v0, v4;
	v9 =	vld [tilespmem:s5+$0xFFFFFF90]  }
0x15c: {  	s19 =	simm.s32 $0x1;
	v18 =	vadd.s32 v1, v4;
	v5 =	vand.u32 $0x7C, v5;
	v13 =	vld [tilespmem:s5+$0xFFFFFFA0]  }
0x15d: {  	v7 =	vmov s19;
	v10 =	vadd.s32 v0, v5;
	v12 =	vld [tilespmem:s5+$0xFFFFFFB0]  }
0x15e: {  	v15 =	vand.u32 $0x7D, v7;
	s23 =	simm.s32 $0x2;
	v4 =	vadd.s32 v1, v5;
	v5 =	vld [tilespmem:s5+$0xFFFFFFC0];
	v16 =	vadd.f32 v6, v3  }
0x15f: {  	v17 =	vmov s23;
	v7 =	vld [tilespmem:s5+$0xFFFFFFD0];
	v6 =	vadd.s32 v0, v15;
	v19 =	vadd.f32 v8, v2  }
0x160: {  	s26 =	simm.s32 $0x7;
	v14 =	vadd.f32 v9, v3;
	v8 =	vadd.s32 v1, v15;
	v9 =	vld [tilespmem:s5+$0xFFFFFFE0];
	v15 =	vand.u32 $0x7E, v17;
	s5 =	simm.s32 $0xC4F0;
	[tilespmem:v11+s31+$0x0] =	vst.idx.msk $0xffff, v16  }
0x161: {  	s8 =	simm.s32 $0x4;
	s10 =	simm.s32 $0x8;
	v17 =	vmov s26;
	v11 =	vld [tilespmem:s5+$0xFFFFFFF0];
	v16 =	vadd.f32 v13, v2;
	v13 =	vadd.s32 v0, v15;
	[tilespmem:v18+s31+$0x0] =	vst.idx.msk $0xffff, v19  }
.LBB2_27:
0x162: {  	p1 =	slt.u32 s10, $0x7C;
	v18 =	vld [tilespmem:s5+$0x0];
	v17 =	vand.u32 $0x7F, v17;
	[tilespmem:v10+s31+$0x0] =	vst.idx.msk $0xffff, v14;
	v10 =	vadd.f32 v12, v3;
	v14 =	vadd.s32 v1, v15  }
0x163: {  	v12 =	vmov s8;
	v15 =	vld [tilespmem:s5+$0xFFFFFF90];
	v19 =	vadd.s32 v0, v17;
	[tilespmem:v4+s31+$0x0] =	vst.idx.msk $0xffff, v16;
	v4 =	vadd.f32 v5, v2  }
0x164: {  	s19 =	sadd.s32 $0x1, s8;
	v5 =	vand.u32 $0x7C, v12;
	v20 =	vadd.s32 v1, v17;
	v16 =	vld [tilespmem:s5+$0xFFFFFFA0];
	[tilespmem:v6+s31+$0x0] =	vst.idx.msk $0xffff, v10;
	v6 =	vadd.f32 v7, v3  }
.Ltmp12:
0x165: {  	v10 =	vadd.s32 v0, v5;
	v7 =	vmov s19;
	v12 =	vld [tilespmem:s5+$0xFFFFFFB0];
	[tilespmem:v8+s31+$0x0] =	vst.idx.msk $0xffff, v4;
	v8 =	vadd.f32 v9, v2;
	(pc) =	sbr.rel @p1 .LBB2_27-.Ltmp12, $4  }
0x166: {  	s19 =	sadd.s32 $0x2, s8;
	s8 =	smov.u32 s10;
	v4 =	vadd.s32 v1, v5;
	v9 =	vand.u32 $0x7D, v7;
	v5 =	vld [tilespmem:s5+$0xFFFFFFC0];
	v11 =	vadd.f32 v11, v3;
	[tilespmem:v13+s31+$0x0] =	vst.idx.msk $0xffff, v6  }
0x167: {  	v6 =	vadd.s32 v0, v9;
	v13 =	vmov s19;
	v7 =	vld [tilespmem:s5+$0xFFFFFFD0];
	v18 =	vadd.f32 v18, v2;
	[tilespmem:v14+s31+$0x0] =	vst.idx.msk $0xffff, v8  }
0x168: {  	s19 =	sadd.s32 $0x3, s10;
	v8 =	vadd.s32 v1, v9;
	v14 =	vadd.f32 v15, v3;
	v9 =	vld [tilespmem:s5+$0xFFFFFFE0];
	v15 =	vand.u32 $0x7E, v13;
	[tilespmem:v19+s31+$0x0] =	vst.idx.msk $0xffff, v11;
	s5 =	sadd.s32 $0x80, s5  }
0x169: {  	s10 =	sadd.s32 $0x4, s10;
	v17 =	vmov s19;
	v11 =	vld [tilespmem:s5+$0xFFFFFFF0];
	v16 =	vadd.f32 v16, v2;
	v13 =	vadd.s32 v0, v15;
	[tilespmem:v20+s31+$0x0] =	vst.idx.msk $0xffff, v18  }
0x16a: {  	_ =	sdelay $0x3  }
0x16b: {  	v18 =	vld [tilespmem:s5+$0x0];
	v17 =	vand.u32 $0x7F, v17;
	[tilespmem:v10+s31+$0x0] =	vst.idx.msk $0xffff, v14;
	v41 =	vadd.f32 v12, v3;
	v42 =	vadd.s32 v1, v15  }
0x16c: {  	v43 =	vmov s8;
	v44 =	vld [tilespmem:s5+$0xFFFFFF90];
	v19 =	vadd.s32 v0, v17;
	[tilespmem:v4+s31+$0x0] =	vst.idx.msk $0xffff, v16;
	v45 =	vadd.f32 v5, v2  }
0x16d: {  	v46 =	vld [tilespmem:s5+$0xFFFFFFA0];
	s10 =	sadd.s32 $0x1, s8;
	v14 =	vand.u32 $0x7C, v43;
	v47 =	vadd.s32 v1, v17;
	[tilespmem:v6+s31+$0x0] =	vst.idx.msk $0xffff, v41;
	v48 =	vadd.f32 v7, v3  }
0x16e: {  	v51 =	vld [tilespmem:s5+$0xFFFFFFB0];
	v50 =	vmov s10;
	v49 =	vadd.s32 v0, v14;
	[tilespmem:v8+s31+$0x0] =	vst.idx.msk $0xffff, v45;
	v52 =	vadd.f32 v9, v2  }
0x16f: {  	v54 =	vld [tilespmem:s5+$0xFFFFFFC0];
	s23 =	sadd.s32 $0x2, s8;
	v53 =	vadd.s32 v1, v14;
	v10 =	vand.u32 $0x7D, v50;
	v11 =	vadd.f32 v11, v3;
	[tilespmem:v13+s31+$0x0] =	vst.idx.msk $0xffff, v48  }
0x170: {  	v57 =	vld [tilespmem:s5+$0xFFFFFFD0];
	v56 =	vmov s23;
	v55 =	vadd.s32 v0, v10;
	v18 =	vadd.f32 v18, v2;
	[tilespmem:v42+s31+$0x0] =	vst.idx.msk $0xffff, v52  }
0x171: {  	v59 =	vld [tilespmem:s5+$0xFFFFFFE0];
	v10 =	vadd.s32 v1, v10;
	v13 =	vand.u32 $0x7E, v56;
	v58 =	vadd.f32 v44, v3;
	[tilespmem:v19+s31+$0x0] =	vst.idx.msk $0xffff, v11  }
0x172: {  	v5 =	vadd.f32 v46, v2;
	v60 =	vadd.s32 v0, v13;
	[tilespmem:v47+s31+$0x0] =	vst.idx.msk $0xffff, v18  }
0x173: {  	v61 =	vadd.f32 v51, v3;
	v62 =	vadd.s32 v1, v13;
	[tilespmem:v49+s31+$0x0] =	vst.idx.msk $0xffff, v58  }
0x174: {  	s26 =	sshll.u32 s21, $0x11;
	v63 =	vadd.f32 v54, v2;
	[tilespmem:v53+s31+$0x0] =	vst.idx.msk $0xffff, v5  }
0x175: {  	s5 =	sor.u32 s4, s26;
	v3 =	vadd.f32 v57, v3;
	[tilespmem:v55+s31+$0x0] =	vst.idx.msk $0xffff, v61  }
0x176: {  	s5 =	sshrl.u32 s5, $0x3;
	v2 =	vadd.f32 v59, v2;
	[tilespmem:v10+s31+$0x0] =	vst.idx.msk $0xffff, v63  }
0x177: {  	s8 =	simm.s32 $0x10600;
	s5 =	sadd.s32 s6, s5;
	[tilespmem:v60+s31+$0x0] =	vst.idx.msk $0xffff, v3  }
0x178: {  	s19 =	simm.s32 $0x10688;
	s10 =	simm.s32 $0x200;
	s21 =	sadd.s32 $0x0, s5;
	[tilespmem:v62+s31+$0x0] =	vst.idx.msk $0xffff, v2  }
.LBB2_29:
0x179: {  	[hbm4b:s21+s2] =	stream.linear.scatter [tilespmem:s8], [sflag:$0xB], $0x80, $0x38;
	[tilespmem:$0x14100] =	vst v63  }
0x17a: {  	s21 =	smov.u32 s10;
	s8 =	smov.u32 s19;
	p1 =	sne.s32 s10, $0x3E00  }
.Ltmp13:
0x17b: {  	s10 =	sadd.s32 $0x200, s10;
	(pc) =	sbr.rel @p1 .LBB2_29-.Ltmp13, $2  }
0x17c: {  	_ =	sdelay $0x2  }
0x17d: {  	s19 =	sadd.s32 $0x88, s19;
	s21 =	sadd.s32 s21, s5  }
0x17e: {  	[hbm4b:s21+s2] =	stream.linear.scatter [tilespmem:s8], [sflag:$0xB], $0x80, $0x38;
	[tilespmem:$0x14100] =	vst v63  }
0x17f: {  	s5 =	sadd.s32 @!p0 $0x680, s7;
	s7 =	simm.s32 @!p0 $0x80;
	s8 =	simm.s32 @!p0 $0xB400  }
0x180: {  	[tilespmem:s8], [sflag:$0x6] =	stream.indirect.gather @!p0 [hbm4b:s3+s7], $0x20, s5, s7, $0xb8;
	[tilespmem:$0x14100] =	vst v63  }
0x181: {  	_ =	swait.ge [sflag:s17], $0x1000  }
0x182: {  	[sflag:s17] =	ssyncset.done $0x0  }
0x183: {  	[sflag:s17] =	ssyncadd.s32 $0xFFFFF000  }
0x184: {  	_ =	swait.ge [sflag:s18], $0x1000  }
0x185: {  	s7 =	sshll.u32 s22, $0x5;
	[sflag:s18] =	ssyncset.done $0x0  }
0x186: {  	s5 =	sand.u32 $0x3FFFFFE0, s7;
	[sflag:s18] =	ssyncadd.s32 $0xFFFFF000  }
0x187: {  	v3 =	vld [tilespmem:s5+$0x12800]  }
0x188: {  	s10 =	simm.s32 $0x3;
	s8 =	simm.s32 $0xD470;
	v2 =	vld [tilespmem:s5+$0x12810]  }
0x189: {  	v4 =	vmov s10;
	v6 =	vld [tilespmem:s8+$0xFFFFFFF0]  }
0x18a: {  	s19 =	simm.s32 $0x0;
	v4 =	vand.u32 $0x7F, v4;
	v8 =	vld [tilespmem:s8+$0x0]  }
0x18b: {  	v5 =	vmov s19;
	v11 =	vadd.s32 v0, v4;
	v9 =	vld [tilespmem:s8+$0xFFFFFF90]  }
0x18c: {  	s21 =	simm.s32 $0x1;
	v5 =	vand.u32 $0x7C, v5;
	v18 =	vadd.s32 v1, v4;
	v13 =	vld [tilespmem:s8+$0xFFFFFFA0]  }
0x18d: {  	v7 =	vmov s21;
	v10 =	vadd.s32 v0, v5;
	v12 =	vld [tilespmem:s8+$0xFFFFFFB0]  }
0x18e: {  	s23 =	simm.s32 $0x2;
	v15 =	vand.u32 $0x7D, v7;
	v4 =	vadd.s32 v1, v5;
	v5 =	vld [tilespmem:s8+$0xFFFFFFC0];
	v16 =	vadd.f32 v6, v3  }
0x18f: {  	v17 =	vmov s23;
	v7 =	vld [tilespmem:s8+$0xFFFFFFD0];
	v6 =	vadd.s32 v0, v15;
	v19 =	vadd.f32 v8, v2  }
0x190: {  	s26 =	simm.s32 $0x7;
	s5 =	simm.s32 $0xD4F0;
	v14 =	vadd.f32 v9, v3;
	v8 =	vadd.s32 v1, v15;
	v9 =	vld [tilespmem:s8+$0xFFFFFFE0];
	v15 =	vand.u32 $0x7E, v17;
	[tilespmem:v11+s1+$0x0] =	vst.idx.msk $0xffff, v16  }
0x191: {  	s7 =	simm.s32 $0x4;
	v17 =	vmov s26;
	s8 =	simm.s32 $0x8;
	v11 =	vld [tilespmem:s5+$0xFFFFFFF0];
	v16 =	vadd.f32 v13, v2;
	v13 =	vadd.s32 v0, v15;
	[tilespmem:v18+s1+$0x0] =	vst.idx.msk $0xffff, v19  }
.LBB2_31:
0x192: {  	p0 =	slt.u32 s8, $0x7C;
	v18 =	vld [tilespmem:s5+$0x0];
	v17 =	vand.u32 $0x7F, v17;
	[tilespmem:v10+s1+$0x0] =	vst.idx.msk $0xffff, v14;
	v10 =	vadd.f32 v12, v3;
	v14 =	vadd.s32 v1, v15  }
0x193: {  	v12 =	vmov s7;
	v15 =	vld [tilespmem:s5+$0xFFFFFF90];
	v19 =	vadd.s32 v0, v17;
	[tilespmem:v4+s1+$0x0] =	vst.idx.msk $0xffff, v16;
	v4 =	vadd.f32 v5, v2  }
0x194: {  	s10 =	sadd.s32 $0x1, s7;
	v5 =	vand.u32 $0x7C, v12;
	v20 =	vadd.s32 v1, v17;
	v16 =	vld [tilespmem:s5+$0xFFFFFFA0];
	[tilespmem:v6+s1+$0x0] =	vst.idx.msk $0xffff, v10;
	v6 =	vadd.f32 v7, v3  }
.Ltmp14:
0x195: {  	v10 =	vadd.s32 v0, v5;
	v7 =	vmov s10;
	v12 =	vld [tilespmem:s5+$0xFFFFFFB0];
	[tilespmem:v8+s1+$0x0] =	vst.idx.msk $0xffff, v4;
	v8 =	vadd.f32 v9, v2;
	(pc) =	sbr.rel @p0 .LBB2_31-.Ltmp14, $4  }
0x196: {  	s10 =	sadd.s32 $0x2, s7;
	s7 =	smov.u32 s8;
	v4 =	vadd.s32 v1, v5;
	v9 =	vand.u32 $0x7D, v7;
	v5 =	vld [tilespmem:s5+$0xFFFFFFC0];
	v11 =	vadd.f32 v11, v3;
	[tilespmem:v13+s1+$0x0] =	vst.idx.msk $0xffff, v6  }
0x197: {  	v6 =	vadd.s32 v0, v9;
	v13 =	vmov s10;
	v7 =	vld [tilespmem:s5+$0xFFFFFFD0];
	v18 =	vadd.f32 v18, v2;
	[tilespmem:v14+s1+$0x0] =	vst.idx.msk $0xffff, v8  }
0x198: {  	s10 =	sadd.s32 $0x3, s8;
	v8 =	vadd.s32 v1, v9;
	v14 =	vadd.f32 v15, v3;
	v9 =	vld [tilespmem:s5+$0xFFFFFFE0];
	v15 =	vand.u32 $0x7E, v13;
	[tilespmem:v19+s1+$0x0] =	vst.idx.msk $0xffff, v11;
	s5 =	sadd.s32 $0x80, s5  }
0x199: {  	s8 =	sadd.s32 $0x4, s8;
	v17 =	vmov s10;
	v11 =	vld [tilespmem:s5+$0xFFFFFFF0];
	v16 =	vadd.f32 v16, v2;
	v13 =	vadd.s32 v0, v15;
	[tilespmem:v20+s1+$0x0] =	vst.idx.msk $0xffff, v18  }
0x19a: {  	_ =	sdelay $0x3  }
0x19b: {  	v18 =	vld [tilespmem:s5+$0x0];
	v17 =	vand.u32 $0x7F, v17;
	[tilespmem:v10+s1+$0x0] =	vst.idx.msk $0xffff, v14;
	v41 =	vadd.f32 v12, v3;
	v42 =	vadd.s32 v1, v15  }
0x19c: {  	v43 =	vmov s7;
	v44 =	vld [tilespmem:s5+$0xFFFFFF90];
	v19 =	vadd.s32 v0, v17;
	[tilespmem:v4+s1+$0x0] =	vst.idx.msk $0xffff, v16;
	v45 =	vadd.f32 v5, v2  }
0x19d: {  	v46 =	vld [tilespmem:s5+$0xFFFFFFA0];
	s8 =	sadd.s32 $0x1, s7;
	v14 =	vand.u32 $0x7C, v43;
	v47 =	vadd.s32 v1, v17;
	[tilespmem:v6+s1+$0x0] =	vst.idx.msk $0xffff, v41;
	v48 =	vadd.f32 v7, v3  }
0x19e: {  	v51 =	vld [tilespmem:s5+$0xFFFFFFB0];
	v50 =	vmov s8;
	v49 =	vadd.s32 v0, v14;
	[tilespmem:v8+s1+$0x0] =	vst.idx.msk $0xffff, v45;
	v52 =	vadd.f32 v9, v2  }
0x19f: {  	v54 =	vld [tilespmem:s5+$0xFFFFFFC0];
	s23 =	sadd.s32 $0x2, s7;
	v53 =	vadd.s32 v1, v14;
	v10 =	vand.u32 $0x7D, v50;
	v11 =	vadd.f32 v11, v3;
	[tilespmem:v13+s1+$0x0] =	vst.idx.msk $0xffff, v48  }
0x1a0: {  	v57 =	vld [tilespmem:s5+$0xFFFFFFD0];
	v56 =	vmov s23;
	v55 =	vadd.s32 v0, v10;
	v18 =	vadd.f32 v18, v2;
	[tilespmem:v42+s1+$0x0] =	vst.idx.msk $0xffff, v52  }
0x1a1: {  	v59 =	vld [tilespmem:s5+$0xFFFFFFE0];
	v10 =	vadd.s32 v1, v10;
	v13 =	vand.u32 $0x7E, v56;
	v58 =	vadd.f32 v44, v3;
	[tilespmem:v19+s1+$0x0] =	vst.idx.msk $0xffff, v11  }
0x1a2: {  	v5 =	vadd.f32 v46, v2;
	v60 =	vadd.s32 v0, v13;
	[tilespmem:v47+s1+$0x0] =	vst.idx.msk $0xffff, v18  }
0x1a3: {  	v61 =	vadd.f32 v51, v3;
	v62 =	vadd.s32 v1, v13;
	[tilespmem:v49+s1+$0x0] =	vst.idx.msk $0xffff, v58  }
0x1a4: {  	s26 =	sshll.u32 s22, $0x11;
	v63 =	vadd.f32 v54, v2;
	[tilespmem:v53+s1+$0x0] =	vst.idx.msk $0xffff, v5  }
0x1a5: {  	s5 =	sor.u32 s4, s26;
	v3 =	vadd.f32 v57, v3;
	[tilespmem:v55+s1+$0x0] =	vst.idx.msk $0xffff, v61  }
0x1a6: {  	s5 =	sshrl.u32 s5, $0x3;
	v2 =	vadd.f32 v59, v2;
	[tilespmem:v10+s1+$0x0] =	vst.idx.msk $0xffff, v63  }
0x1a7: {  	s7 =	simm.s32 $0x11700;
	s5 =	sadd.s32 s6, s5;
	[tilespmem:v60+s1+$0x0] =	vst.idx.msk $0xffff, v3  }
0x1a8: {  	s10 =	simm.s32 $0x11788;
	s8 =	simm.s32 $0x200;
	s19 =	sadd.s32 $0x0, s5;
	[tilespmem:v62+s1+$0x0] =	vst.idx.msk $0xffff, v2  }
.LBB2_33:
0x1a9: {  	[hbm4b:s19+s2] =	stream.linear.scatter [tilespmem:s7], [sflag:$0xC], $0x80, $0x38;
	[tilespmem:$0x14100] =	vst v63  }
0x1aa: {  	s19 =	smov.u32 s8;
	s7 =	smov.u32 s10;
	p0 =	sne.s32 s8, $0x3E00  }
.Ltmp15:
0x1ab: {  	s8 =	sadd.s32 $0x200, s8;
	(pc) =	sbr.rel @p0 .LBB2_33-.Ltmp15, $2  }
0x1ac: {  	_ =	sdelay $0x2  }
0x1ad: {  	s10 =	sadd.s32 $0x88, s10;
	s19 =	sadd.s32 s19, s5  }
0x1ae: {  	s20 =	sadd.s32 $0x1, s20  }
0x1af: {  	p0 =	sne.s32 s20, $0x19  }
.Ltmp16:
0x1b0: {  	_ = 	snop;
	(pc) =	sbr.rel @p0 .LBB2_2-.Ltmp16, $2  }
0x1b1: {  	_ =	sdelay $0x2  }
0x1b2: {  	[hbm4b:s19+s2] =	stream.linear.scatter [tilespmem:s7], [sflag:$0xC], $0x80, $0x38;
	[tilespmem:$0x14100] =	vst v63  }
0x1b3: {  	_ =	swait.ge [sflag:s9], $0x1000  }
0x1b4: {  	[sflag:s9] =	ssyncset.done $0x0  }
0x1b5: {  	[sflag:s9] =	ssyncadd.s32 $0xFFFFF000  }
0x1b6: {  	_ =	swait.ge [sflag:s13], $0x1000  }
0x1b7: {  	[sflag:s13] =	ssyncset.done $0x0  }
0x1b8: {  	[sflag:s13] =	ssyncadd.s32 $0xFFFFF000  }
0x1b9: {  	_ =	swait.ge [sflag:s15], $0x1000  }
0x1ba: {  	[sflag:s15] =	ssyncset.done $0x0  }
0x1bb: {  	[sflag:s15] =	ssyncadd.s32 $0xFFFFF000  }
0x1bc: {  	_ =	swait.ge [sflag:s17], $0x1000  }
0x1bd: {  	s7 =	rddreg [dreg:$0x6]  }
0x1be: {  	s5 =	rddreg [dreg:$0x5];
	s7 =	sadd.s32 $0x1, s7  }
0x1bf: {  	p0 =	sne.s32 s7, s5  }
.Ltmp17:
0x1c0: {  	_ = 	snop;
	(pc) =	sbr.rel @p0 .LBB2_1-.Ltmp17, $3  }
0x1c1: {  	_ =	sdelay $0x1  }
0x1c2: {  	[sflag:s17] =	ssyncset.done $0x0  }
0x1c3: {  	[sflag:s17] =	ssyncadd.s32 $0xFFFFF000  }
0x1c4: {  	_ =	sfence.sel $0x180000  }
0x1c5: {  	[bflag:$0x0] =	sbarrier.arrive $0xFFFF  }
0x1c6: {  	_ =	strace $0x90000047  }
0x1c7: {  	s0 =	stileid.u32;
	[bflag:$0x2] =	sbarrier.arrive $0xFFFF  }
0x1c8: {  	p0 =	sne.s32 s0, $0x0;
	s0 =	rddreg [dreg:$0x2]  }
0x1c9: {  	s0 =	sadd.s32 @!p0 $0x100000, s0  }
0x1ca: {  	[sflag:s0] =	ssyncadd.tile.s32 @!p0 $0x1;
	_ =	shalt  }
.Lfunc_end2:
_tile_overlayer_lowered:
.L_overlay_start_2:
0x1cb: {  	(tag) =	ssettag $0x2  }
0x1cc: {  	s0 =	rddreg [dreg:$0x0];
	s2 =	stileid.u32  }
0x1cd: {  	s1 =	rddreg [dreg:$0x1];
	p0 =	sne.s32 s2, $0x0  }
0x1ce: {  	s3 =	rddreg [dreg:$0x2];
	[bflag:$0x3] =	sbarrier.arrive $0xFFFF;
	s2 =	simm.s32 @!p0 $0x1C0D  }
0x1cf: {  	[timem:s3], [sflag:s2] =	dma.local @!p0 [hbm:s0], s1  }
0x1d0: {  	s0 =	simm.s32 @!p0 $0xD  }
0x1d1: {  	_ =	swait.ge @!p0 [sflag:s0], s1  }
0x1d2: {  	s1 =	ssub.s32 @!p0 $0x0, s1;
	[sflag:s0] =	ssyncset.done @!p0 $0x0  }
0x1d3: {  	[sflag:s0] =	ssyncadd.s32 @!p0 s1  }
0x1d4: {  	[bflag:$0x3] =	sbarrier.arrive $0xFFFF  }
0x1d5: {  	_ =	shalt  }

</sc_bundles>
